<compile_context>
chip_gen: v7x
topology: tpu7x:2x2x1
jax: 0.10.2.dev20260603
libtpu: 0.0.44.dev20260713+nightly
codegen_flags: <defaults>
</compile_context>

<pallas_src>
import functools

import jax
import jax.numpy as jnp
from jax import lax
from jax.experimental import pallas as pl
from jax.experimental.pallas import tpu as pltpu
from jax.experimental.pallas import tpu_sc as plsc

NC = 2
NS = 16
NW = NC * NS

NHID = 128
NQ = 2
HQ = NHID // NQ

CHUNK = 125
NCHUNK = 80

NPAD = 10000
ROWS_PER_TILE = NPAD // NS
N_NODES = 10000
HS_ROWS_PER_TILE = N_NODES // NS
DW = 8

RB = 2000

_MESH = plsc.VectorSubcoreMesh(
    core_axis_name="c", subcore_axis_name="s", num_cores=NC, num_subcores=NS
)
_SC_PARAMS = pltpu.CompilerParams(use_tc_tiling_on_sc=False,
                                  internal_scratch_in_bytes=0)


@functools.partial(
    pl.kernel,
    out_type=jax.ShapeDtypeStruct((NC, NPAD, DW), jnp.float32),
    mesh=_MESH,
    scratch_types=[
        pltpu.VMEM((NCHUNK, CHUNK), jnp.int32),
        pltpu.VMEM((CHUNK, DW), jnp.float32),
        pltpu.VMEM((ROWS_PER_TILE, DW), jnp.float32),
        pltpu.SemaphoreType.DMA,
        pltpu.SemaphoreType.DMA,
        pltpu.VMEM_SHARED((NPAD, DW), jnp.float32),
    ],
    compiler_params=_SC_PARAMS,
)
def _deg_kernel(dst_hbm, out_hbm, dst_v, ones_v, stage_v, sem0, sem1, deg_sh):
    c = lax.axis_index("c")
    s = lax.axis_index("s")
    wid = c * NS + s
    base = s * ROWS_PER_TILE
    sems = (sem0, sem1)

    @pl.loop(0, CHUNK)
    def _(i):
        ones_v[i, :] = jnp.ones((DW,), jnp.float32)

    @pl.loop(0, ROWS_PER_TILE)
    def _(i):
        stage_v[i, :] = jnp.zeros((DW,), jnp.float32)

    pltpu.sync_copy(stage_v, deg_sh.at[pl.ds(base, ROWS_PER_TILE)])
    plsc.subcore_barrier()

    pltpu.sync_copy(dst_hbm.at[wid], dst_v)

    pltpu.async_copy(ones_v, deg_sh.at[dst_v.at[0]], sem0, add=True)
    pltpu.async_copy(ones_v, deg_sh.at[dst_v.at[1]], sem1, add=True)

    @pl.loop(0, NCHUNK - 2, step=2)
    def _(g):
        for b in range(2):
            cur = g + b
            pltpu.make_async_copy(ones_v, deg_sh.at[dst_v.at[cur]],
                                  sems[b]).wait()
            pltpu.async_copy(ones_v, deg_sh.at[dst_v.at[cur + 2]], sems[b],
                             add=True)

    for b in range(2):
        cur = NCHUNK - 2 + b
        pltpu.make_async_copy(ones_v, deg_sh.at[dst_v.at[cur]],
                              sems[b]).wait()

    plsc.subcore_barrier()
    pltpu.sync_copy(deg_sh.at[pl.ds(base, ROWS_PER_TILE)], stage_v)
    pltpu.sync_copy(stage_v, out_hbm.at[c, pl.ds(base, ROWS_PER_TILE)])


@functools.partial(
    pl.kernel,
    out_type=jax.ShapeDtypeStruct((NC, NPAD, NHID), jnp.float32),
    mesh=_MESH,
    scratch_types=[
        pltpu.VMEM((NCHUNK, CHUNK), jnp.int32),
        pltpu.VMEM((NCHUNK, CHUNK), jnp.int32),
        pltpu.VMEM((2, CHUNK, HQ), jnp.float32),
        pltpu.SemaphoreType.DMA,
        pltpu.SemaphoreType.DMA,
        pltpu.SemaphoreType.DMA,
        pltpu.SemaphoreType.DMA,
        pltpu.VMEM_SHARED((N_NODES, HQ), jnp.float32),
        pltpu.VMEM_SHARED((NPAD, HQ), jnp.float32),
    ],
    compiler_params=_SC_PARAMS,
)
def _agg_kernel(hs_hbm, src_hbm, dst_hbm, out_hbm,
                src_v, dst_v, buf_v, g0, g1, s0, s1, hs_sh, agg_sh):
    c = lax.axis_index("c")
    s = lax.axis_index("s")
    wid = c * NS + s
    base = s * ROWS_PER_TILE
    hs_base = s * HS_ROWS_PER_TILE
    gsems = (g0, g1)
    ssems = (s0, s1)
    nz = ROWS_PER_TILE // CHUNK

    pltpu.sync_copy(src_hbm.at[wid], src_v)
    pltpu.sync_copy(dst_hbm.at[wid], dst_v)

    for q in range(NQ):
        @pl.loop(0, CHUNK)
        def _(i):
            for j in range(HQ // 16):
                buf_v[0, i, pl.ds(j * 16, 16)] = jnp.zeros((16,), jnp.float32)

        for k in range(nz):
            pltpu.sync_copy(buf_v.at[0],
                            agg_sh.at[pl.ds(base + k * CHUNK, CHUNK)])

        pltpu.sync_copy(
            hs_hbm.at[pl.ds(hs_base, HS_ROWS_PER_TILE), pl.ds(q * HQ, HQ)],
            hs_sh.at[pl.ds(hs_base, HS_ROWS_PER_TILE)])
        plsc.subcore_barrier()

        for b in range(2):
            pltpu.async_copy(hs_sh.at[src_v.at[b]], buf_v.at[b], gsems[b])

        @pl.loop(0, NCHUNK - 2, step=2)
        def _(g):
            for b in range(2):
                cur = g + b
                pltpu.make_async_copy(hs_sh.at[src_v.at[cur]], buf_v.at[b],
                                      gsems[b]).wait()
                pltpu.async_copy(buf_v.at[b], agg_sh.at[dst_v.at[cur]],
                                 ssems[b], add=True)
                pltpu.make_async_copy(buf_v.at[b], agg_sh.at[dst_v.at[cur]],
                                      ssems[b]).wait()
                pltpu.async_copy(hs_sh.at[src_v.at[cur + 2]], buf_v.at[b],
                                 gsems[b])

        for b in range(2):
            cur = NCHUNK - 2 + b
            pltpu.make_async_copy(hs_sh.at[src_v.at[cur]], buf_v.at[b],
                                  gsems[b]).wait()
            pltpu.async_copy(buf_v.at[b], agg_sh.at[dst_v.at[cur]],
                             ssems[b], add=True)
        for b in range(2):
            cur = NCHUNK - 2 + b
            pltpu.make_async_copy(buf_v.at[b], agg_sh.at[dst_v.at[cur]],
                                  ssems[b]).wait()

        plsc.subcore_barrier()
        pltpu.sync_copy(agg_sh.at[pl.ds(base, ROWS_PER_TILE)],
                        out_hbm.at[c, pl.ds(base, ROWS_PER_TILE),
                                   pl.ds(q * HQ, HQ)])
        plsc.subcore_barrier()


def _hs_body(x_ref, w_ref, degp_ref, hs_ref):
    h = jnp.dot(x_ref[...], w_ref[...], preferred_element_type=jnp.float32)
    dp = degp_ref[...]
    deg = dp[0] + dp[1] + 1.0
    dinv = lax.rsqrt(deg)[:, 0:1]
    hs_ref[...] = h * dinv


def _out_body(aggp_ref, hs_ref, degp_ref, w2_ref, b1_ref, b2_ref, o_ref):
    dp = degp_ref[...]
    deg = dp[0] + dp[1] + 1.0
    dinv = lax.rsqrt(deg)[:, 0:1]
    ap = aggp_ref[...]
    t = (ap[0] + ap[1] + hs_ref[...]) * dinv + b1_ref[...]
    res = jnp.dot(t, w2_ref[...], preferred_element_type=jnp.float32) \
        + b2_ref[...]
    o_ref[...] = res[:, :o_ref.shape[1]]


def kernel(edge_index, x, W1, b1, W2, b2):
    n, f = x.shape
    nclass = W2.shape[1]

    ei = edge_index.astype(jnp.int32).reshape(2, NW, NCHUNK, CHUNK)
    src = ei[0]
    dst = ei[1]

    degp = _deg_kernel(dst)

    hs = pl.pallas_call(
        _hs_body,
        grid=(n // RB,),
        in_specs=[
            pl.BlockSpec((RB, f), lambda i: (i, 0)),
            pl.BlockSpec((f, NHID), lambda i: (0, 0)),
            pl.BlockSpec((NC, RB, DW), lambda i: (0, i, 0)),
        ],
        out_specs=pl.BlockSpec((RB, NHID), lambda i: (i, 0)),
        out_shape=jax.ShapeDtypeStruct((n, NHID), jnp.float32),
    )(x, W1, degp)

    aggp = _agg_kernel(hs, src, dst)

    w2p = jnp.zeros((NHID, 128), jnp.float32).at[:, :nclass].set(W2)
    b2p = jnp.zeros((128,), jnp.float32).at[:nclass].set(b2)

    out = pl.pallas_call(
        _out_body,
        grid=(n // RB,),
        in_specs=[
            pl.BlockSpec((NC, RB, NHID), lambda i: (0, i, 0)),
            pl.BlockSpec((RB, NHID), lambda i: (i, 0)),
            pl.BlockSpec((NC, RB, DW), lambda i: (0, i, 0)),
            pl.BlockSpec((NHID, 128), lambda i: (0, 0)),
            pl.BlockSpec((NHID,), lambda i: (0,)),
            pl.BlockSpec((128,), lambda i: (0,)),
        ],
        out_specs=pl.BlockSpec((RB, nclass), lambda i: (i, 0)),
        out_shape=jax.ShapeDtypeStruct((n, nclass), jnp.float32),
    )(aggp, hs, degp, w2p, b1, b2p)

    return out

# --- scband reference (transcript-rebuilt; emitter-appended) ---
"""Pipeline reference for scband-gcn-86062554677411 (READ-ONLY COPY).

The authoritative reference and input builder live on the scoring server;
editing this copy changes nothing except your own understanding.
"""

import jax, jax.numpy as jnp
import numpy as np

N_NODES = 10000
N_EDGES = 320000
NFEAT = 128
NHID = 128
NCLASS = 40


def setup_inputs(seed: int = 0) -> dict:
    key = jax.random.key(seed)
    k1, k2, k3, k4, k5, k6 = jax.random.split(key, 6)
    edge_index = jax.random.randint(k1, (2, N_EDGES), 0, N_NODES, dtype=jnp.int64)
    x = jax.random.normal(k2, (N_NODES, NFEAT), dtype=jnp.float32)
    # GCNConv weight (glorot) and bias
    W1 = jax.random.normal(k3, (NFEAT, NHID), dtype=jnp.float32) * (1.0 / np.sqrt(NFEAT))
    b1 = jnp.zeros((NHID,), dtype=jnp.float32)
    # Linear layer
    W2 = jax.random.normal(k4, (NHID, NCLASS), dtype=jnp.float32) * (1.0 / np.sqrt(NHID))
    b2 = jax.random.uniform(k5, (NCLASS,), dtype=jnp.float32, minval=-1.0 / np.sqrt(NHID), maxval=1.0 / np.sqrt(NHID))
    return {"edge_index": edge_index, "x": x, "W1": W1, "b1": b1, "W2": W2, "b2": b2}


def _gcn_conv(x, edge_index, W, b):
    N = x.shape[0]
    # add self loops (PyG GCNConv default: add_self_loops=True, edge_weight=1)
    loop = jnp.arange(N, dtype=edge_index.dtype)
    src = jnp.concatenate([edge_index[0], loop])
    dst = jnp.concatenate([edge_index[1], loop])
    # symmetric normalization: deg computed over destination nodes
    deg = jnp.zeros((N,), dtype=x.dtype).at[dst].add(1.0)
    dinv = jnp.where(deg > 0, deg ** -0.5, 0.0)
    norm = dinv[src] * dinv[dst]
    # linear transform then propagate
    h = x @ W
    msg = h[src] * norm[:, None]
    out = jnp.zeros((N, W.shape[1]), dtype=x.dtype).at[dst].add(msg)
    return out + b


def reference(edge_index, x, W1, b1, W2, b2):
    h = _gcn_conv(x, edge_index, W1, b1)
    out = h @ W2 + b2
    return out

if __name__ == "__main__":
    import jax
    _d = setup_inputs()
    print(jax.jit(kernel)(*tuple(_d.values())))

</pallas_src>

<mosaic_0001>
#map = affine_map<(d0, d1) -> (0, 0, 0)>
module attributes {stable_mosaic.version = 14 : i64} {
  func.func @_deg_kernel(%arg0: i32, %arg1: i32, %arg2: memref<32x80x125xi32, #tpu.memory_space<hbm>>, %arg3: memref<2x10000x8xf32, #tpu.memory_space<hbm>>, %arg4: memref<80x125xi32, #tpu.memory_space<vmem>>, %arg5: memref<125x8xf32, #tpu.memory_space<vmem>>, %arg6: memref<625x8xf32, #tpu.memory_space<vmem>>, %arg7: memref<!tpu.dma_semaphore, #tpu.memory_space<semaphore_mem>>, %arg8: memref<!tpu.dma_semaphore, #tpu.memory_space<semaphore_mem>>, %arg9: memref<10000x8xf32, #tpu.memory_space<vmem_shared>>) attributes {dimension_semantics = [#tpu.dimension_semantics<core_parallel>, #tpu.dimension_semantics<subcore_parallel>], iteration_bounds = array<i64: 2, 16>, scalar_prefetch = 0 : i64, scratch_operands = 6 : i64, tpu.core_type = #tpu.core_type<sc_vector_subcore>, window_params = [{transform_indices = #map}, {transform_indices = #map}]} {
    %mul3A = arith.constant 16 : i32
    %mul3A_0 = arith.muli %arg0, %mul3A : i32
    %add3A = arith.addi %mul3A_0, %arg1 : i32
    %mul3A_1 = arith.constant 625 : i32
    %mul3A_2 = arith.muli %arg1, %mul3A_1 : i32
    %scan3A = arith.constant 0 : i32
    %scan3A_3 = arith.constant 125 : i32
    %scan3A_4 = arith.addi %scan3A, %scan3A_3 : i32
    %scan3A_5 = arith.constant 1 : i32
    scf.for %scan3A_44 = %scan3A to %scan3A_4 step %scan3A_5  : i32 {
      %mul3A_45 = arith.constant 1 : i32
      %mul3A_46 = arith.muli %scan3A_44, %mul3A_45 : i32
      %add3A_47 = arith.constant 0 : i32
      %add3A_48 = arith.addi %add3A_47, %mul3A_46 : i32
      %broadcast_in_dim3A = arith.constant 1.000000e+00 : f32
      %broadcast_in_dim3A_49 = vector.broadcast %broadcast_in_dim3A : f32 to vector<8xf32>
      %swap3A = arith.index_cast %add3A_48 : i32 to index
      %swap3A_50 = arith.constant 0 : index
      %swap3A_51 = tpu.vector_load %arg5[%swap3A, %swap3A_50] {strides = array<i32>} : memref<125x8xf32, #tpu.memory_space<vmem>>, vector<1x8xf32>,
      %swap3A_52 = vector.shape_cast %swap3A_51 : vector<1x8xf32> to vector<8xf32>
      %swap3A_53 = vector.shape_cast %broadcast_in_dim3A_49 : vector<8xf32> to vector<1x8xf32>
      tpu.vector_store %arg5[%swap3A, %swap3A_50], %swap3A_53 {strides = array<i32>} : memref<125x8xf32, #tpu.memory_space<vmem>>, vector<1x8xf32>,
    }
    %scan3A_6 = arith.constant 125 : i32
    %scan3A_7 = arith.constant 0 : i32
    %scan3A_8 = arith.constant 625 : i32
    %scan3A_9 = arith.addi %scan3A_7, %scan3A_8 : i32
    %scan3A_10 = arith.constant 1 : i32
    scf.for %scan3A_44 = %scan3A_7 to %scan3A_9 step %scan3A_10  : i32 {
      %mul3A_45 = arith.constant 1 : i32
      %mul3A_46 = arith.muli %scan3A_44, %mul3A_45 : i32
      %add3A_47 = arith.constant 0 : i32
      %add3A_48 = arith.addi %add3A_47, %mul3A_46 : i32
      %broadcast_in_dim3A = arith.constant 0.000000e+00 : f32
      %broadcast_in_dim3A_49 = vector.broadcast %broadcast_in_dim3A : f32 to vector<8xf32>
      %swap3A = arith.index_cast %add3A_48 : i32 to index
      %swap3A_50 = arith.constant 0 : index
      %swap3A_51 = tpu.vector_load %arg6[%swap3A, %swap3A_50] {strides = array<i32>} : memref<625x8xf32, #tpu.memory_space<vmem>>, vector<1x8xf32>,
      %swap3A_52 = vector.shape_cast %swap3A_51 : vector<1x8xf32> to vector<8xf32>
      %swap3A_53 = vector.shape_cast %broadcast_in_dim3A_49 : vector<8xf32> to vector<1x8xf32>
      tpu.vector_store %arg6[%swap3A, %swap3A_50], %swap3A_53 {strides = array<i32>} : memref<625x8xf32, #tpu.memory_space<vmem>>, vector<1x8xf32>,
    }
    %scan3A_11 = arith.constant 625 : i32
    "tpu.region"() ({
      %run_scoped3A = tpu.sem_alloc : memref<!tpu.dma_semaphore, #tpu.memory_space<semaphore_mem>>
      %dma_start3A_44 = arith.constant 0 : i32
      %dma_start3A_45 = tpu.memref_slice %arg9[%mul3A_2, %dma_start3A_44] : memref<10000x8xf32, #tpu.memory_space<vmem_shared>> -> memref<625x8xf32, #tpu.memory_space<vmem_shared>>
      %dma_start3A_46 = arith.constant 0 : i32
      %dma_start3A_47 = tpu.memref_slice %arg9[%mul3A_2, %dma_start3A_46] : memref<10000x8xf32, #tpu.memory_space<vmem_shared>> -> memref<625x8xf32, #tpu.memory_space<vmem_shared>>
      tpu.enqueue_dma source(%arg6 : memref<625x8xf32, #tpu.memory_space<vmem>>) target(%dma_start3A_47 : memref<625x8xf32, #tpu.memory_space<vmem_shared>>) target_semaphore(%run_scoped3A : memref<!tpu.dma_semaphore, #tpu.memory_space<semaphore_mem>>)
      %dma_wait3A_48 = arith.constant 0 : i32
      %dma_wait3A_49 = tpu.memref_slice %arg9[%mul3A_2, %dma_wait3A_48] : memref<10000x8xf32, #tpu.memory_space<vmem_shared>> -> memref<625x8xf32, #tpu.memory_space<vmem_shared>>
      %dma_wait3A_50 = arith.constant 0 : i32
      %dma_wait3A_51 = tpu.memref_slice %arg9[%mul3A_2, %dma_wait3A_50] : memref<10000x8xf32, #tpu.memory_space<vmem_shared>> -> memref<625x8xf32, #tpu.memory_space<vmem_shared>>
      tpu.wait_dma2 semaphore(%run_scoped3A : memref<!tpu.dma_semaphore, #tpu.memory_space<semaphore_mem>>) src(%arg6 : memref<625x8xf32, #tpu.memory_space<vmem>>) dst(%dma_wait3A_51 : memref<625x8xf32, #tpu.memory_space<vmem_shared>>)
      tpu.yield
    }) : () -> ()
    %barrier3A = arith.constant 0 : index
    tpu.barrier barrier_id(%barrier3A)
    "tpu.region"() ({
      %run_scoped3A = tpu.sem_alloc : memref<!tpu.dma_semaphore, #tpu.memory_space<semaphore_mem>>
      %dma_start3A_44 = arith.constant 0 : i32
      %dma_start3A_45 = arith.constant 0 : i32
      %dma_start3A_46 = tpu.memref_slice %arg2[%add3A, %dma_start3A_44, %dma_start3A_45] : memref<32x80x125xi32, #tpu.memory_space<hbm>> -> memref<1x80x125xi32, #tpu.memory_space<hbm>>
      %dma_start3A_47 = tpu.memref_squeeze %dma_start3A_46 : memref<1x80x125xi32, #tpu.memory_space<hbm>> -> memref<80x125xi32, #tpu.memory_space<hbm>>
      %dma_start3A_48 = arith.constant 0 : i32
      %dma_start3A_49 = arith.constant 0 : i32
      %dma_start3A_50 = tpu.memref_slice %arg2[%add3A, %dma_start3A_48, %dma_start3A_49] : memref<32x80x125xi32, #tpu.memory_space<hbm>> -> memref<1x80x125xi32, #tpu.memory_space<hbm>>
      %dma_start3A_51 = tpu.memref_squeeze %dma_start3A_50 : memref<1x80x125xi32, #tpu.memory_space<hbm>> -> memref<80x125xi32, #tpu.memory_space<hbm>>
      tpu.enqueue_dma source(%dma_start3A_51 : memref<80x125xi32, #tpu.memory_space<hbm>>) target(%arg4 : memref<80x125xi32, #tpu.memory_space<vmem>>) target_semaphore(%run_scoped3A : memref<!tpu.dma_semaphore, #tpu.memory_space<semaphore_mem>>)
      %dma_wait3A_52 = arith.constant 0 : i32
      %dma_wait3A_53 = arith.constant 0 : i32
      %dma_wait3A_54 = tpu.memref_slice %arg2[%add3A, %dma_wait3A_52, %dma_wait3A_53] : memref<32x80x125xi32, #tpu.memory_space<hbm>> -> memref<1x80x125xi32, #tpu.memory_space<hbm>>
      %dma_wait3A_55 = tpu.memref_squeeze %dma_wait3A_54 : memref<1x80x125xi32, #tpu.memory_space<hbm>> -> memref<80x125xi32, #tpu.memory_space<hbm>>
      %dma_wait3A_56 = arith.constant 0 : i32
      %dma_wait3A_57 = arith.constant 0 : i32
      %dma_wait3A_58 = tpu.memref_slice %arg2[%add3A, %dma_wait3A_56, %dma_wait3A_57] : memref<32x80x125xi32, #tpu.memory_space<hbm>> -> memref<1x80x125xi32, #tpu.memory_space<hbm>>
      %dma_wait3A_59 = tpu.memref_squeeze %dma_wait3A_58 : memref<1x80x125xi32, #tpu.memory_space<hbm>> -> memref<80x125xi32, #tpu.memory_space<hbm>>
      tpu.wait_dma2 semaphore(%run_scoped3A : memref<!tpu.dma_semaphore, #tpu.memory_space<semaphore_mem>>) src(%dma_wait3A_59 : memref<80x125xi32, #tpu.memory_space<hbm>>) dst(%arg4 : memref<80x125xi32, #tpu.memory_space<vmem>>)
      tpu.yield
    }) : () -> ()
    %dma_start3A = arith.constant 0 : i32
    %dma_start3A_12 = arith.constant 0 : i32
    %dma_start3A_13 = tpu.memref_slice %arg4[%dma_start3A, %dma_start3A_12] : memref<80x125xi32, #tpu.memory_space<vmem>> -> memref<1x125xi32, #tpu.memory_space<vmem>>
    %dma_start3A_14 = tpu.memref_squeeze %dma_start3A_13 : memref<1x125xi32, #tpu.memory_space<vmem>> -> memref<125xi32, #tpu.memory_space<vmem>>
    %dma_start3A_15 = arith.constant 0 : i32
    %dma_start3A_16 = arith.constant 0 : i32
    %dma_start3A_17 = tpu.memref_slice %arg9[%dma_start3A_15, %dma_start3A_16] : memref<10000x8xf32, #tpu.memory_space<vmem_shared>> -> memref<10000x8xf32, #tpu.memory_space<vmem_shared>>
    tpu.enqueue_indirect_dma source(%arg5 : memref<125x8xf32, #tpu.memory_space<vmem>>) target(%dma_start3A_17 : memref<10000x8xf32, #tpu.memory_space<vmem_shared>>) offsets(%dma_start3A_14 : memref<125xi32, #tpu.memory_space<vmem>>) semaphore(%arg7 : memref<!tpu.dma_semaphore, #tpu.memory_space<semaphore_mem>>) {add = true}
    %dma_start3A_18 = arith.constant 1 : i32
    %dma_start3A_19 = arith.constant 0 : i32
    %dma_start3A_20 = tpu.memref_slice %arg4[%dma_start3A_18, %dma_start3A_19] : memref<80x125xi32, #tpu.memory_space<vmem>> -> memref<1x125xi32, #tpu.memory_space<vmem>>
    %dma_start3A_21 = tpu.memref_squeeze %dma_start3A_20 : memref<1x125xi32, #tpu.memory_space<vmem>> -> memref<125xi32, #tpu.memory_space<vmem>>
    %dma_start3A_22 = arith.constant 0 : i32
    %dma_start3A_23 = arith.constant 0 : i32
    %dma_start3A_24 = tpu.memref_slice %arg9[%dma_start3A_22, %dma_start3A_23] : memref<10000x8xf32, #tpu.memory_space<vmem_shared>> -> memref<10000x8xf32, #tpu.memory_space<vmem_shared>>
    tpu.enqueue_indirect_dma source(%arg5 : memref<125x8xf32, #tpu.memory_space<vmem>>) target(%dma_start3A_24 : memref<10000x8xf32, #tpu.memory_space<vmem_shared>>) offsets(%dma_start3A_21 : memref<125xi32, #tpu.memory_space<vmem>>) semaphore(%arg8 : memref<!tpu.dma_semaphore, #tpu.memory_space<semaphore_mem>>) {add = true}
    %scan3A_25 = arith.constant 0 : i32
    %scan3A_26 = arith.constant 39 : i32
    %scan3A_27 = arith.addi %scan3A_25, %scan3A_26 : i32
    %scan3A_28 = arith.constant 1 : i32
    scf.for %scan3A_44 = %scan3A_25 to %scan3A_27 step %scan3A_28  : i32 {
      %mul3A_45 = arith.constant 2 : i32
      %mul3A_46 = arith.muli %scan3A_44, %mul3A_45 : i32
      %add3A_47 = arith.constant 0 : i32
      %add3A_48 = arith.addi %add3A_47, %mul3A_46 : i32
      %add3A_49 = arith.constant 0 : i32
      %add3A_50 = arith.addi %add3A_48, %add3A_49 : i32
      %dma_wait3A_51 = arith.constant 0 : i32
      %dma_wait3A_52 = tpu.memref_slice %arg4[%add3A_50, %dma_wait3A_51] : memref<80x125xi32, #tpu.memory_space<vmem>> -> memref<1x125xi32, #tpu.memory_space<vmem>>
      %dma_wait3A_53 = tpu.memref_squeeze %dma_wait3A_52 : memref<1x125xi32, #tpu.memory_space<vmem>> -> memref<125xi32, #tpu.memory_space<vmem>>
      %dma_wait3A_54 = arith.constant 0 : i32
      %dma_wait3A_55 = arith.constant 0 : i32
      %dma_wait3A_56 = tpu.memref_slice %arg9[%dma_wait3A_54, %dma_wait3A_55] : memref<10000x8xf32, #tpu.memory_space<vmem_shared>> -> memref<10000x8xf32, #tpu.memory_space<vmem_shared>>
      tpu.wait_indirect_dma semaphore(%arg7 : memref<!tpu.dma_semaphore, #tpu.memory_space<semaphore_mem>>) src(%arg5 : memref<125x8xf32, #tpu.memory_space<vmem>>) dst(%dma_wait3A_56 : memref<10000x8xf32, #tpu.memory_space<vmem_shared>>)
      %add3A_57 = arith.constant 2 : i32
      %add3A_58 = arith.addi %add3A_50, %add3A_57 : i32
      %dma_start3A_59 = arith.constant 0 : i32
      %dma_start3A_60 = tpu.memref_slice %arg4[%add3A_58, %dma_start3A_59] : memref<80x125xi32, #tpu.memory_space<vmem>> -> memref<1x125xi32, #tpu.memory_space<vmem>>
      %dma_start3A_61 = tpu.memref_squeeze %dma_start3A_60 : memref<1x125xi32, #tpu.memory_space<vmem>> -> memref<125xi32, #tpu.memory_space<vmem>>
      %dma_start3A_62 = arith.constant 0 : i32
      %dma_start3A_63 = arith.constant 0 : i32
      %dma_start3A_64 = tpu.memref_slice %arg9[%dma_start3A_62, %dma_start3A_63] : memref<10000x8xf32, #tpu.memory_space<vmem_shared>> -> memref<10000x8xf32, #tpu.memory_space<vmem_shared>>
      tpu.enqueue_indirect_dma source(%arg5 : memref<125x8xf32, #tpu.memory_space<vmem>>) target(%dma_start3A_64 : memref<10000x8xf32, #tpu.memory_space<vmem_shared>>) offsets(%dma_start3A_61 : memref<125xi32, #tpu.memory_space<vmem>>) semaphore(%arg7 : memref<!tpu.dma_semaphore, #tpu.memory_space<semaphore_mem>>) {add = true}
      %add3A_65 = arith.constant 1 : i32
      %add3A_66 = arith.addi %add3A_48, %add3A_65 : i32
      %dma_wait3A_67 = arith.constant 0 : i32
      %dma_wait3A_68 = tpu.memref_slice %arg4[%add3A_66, %dma_wait3A_67] : memref<80x125xi32, #tpu.memory_space<vmem>> -> memref<1x125xi32, #tpu.memory_space<vmem>>
      %dma_wait3A_69 = tpu.memref_squeeze %dma_wait3A_68 : memref<1x125xi32, #tpu.memory_space<vmem>> -> memref<125xi32, #tpu.memory_space<vmem>>
      %dma_wait3A_70 = arith.constant 0 : i32
      %dma_wait3A_71 = arith.constant 0 : i32
      %dma_wait3A_72 = tpu.memref_slice %arg9[%dma_wait3A_70, %dma_wait3A_71] : memref<10000x8xf32, #tpu.memory_space<vmem_shared>> -> memref<10000x8xf32, #tpu.memory_space<vmem_shared>>
      tpu.wait_indirect_dma semaphore(%arg8 : memref<!tpu.dma_semaphore, #tpu.memory_space<semaphore_mem>>) src(%arg5 : memref<125x8xf32, #tpu.memory_space<vmem>>) dst(%dma_wait3A_72 : memref<10000x8xf32, #tpu.memory_space<vmem_shared>>)
      %add3A_73 = arith.constant 2 : i32
      %add3A_74 = arith.addi %add3A_66, %add3A_73 : i32
      %dma_start3A_75 = arith.constant 0 : i32
      %dma_start3A_76 = tpu.memref_slice %arg4[%add3A_74, %dma_start3A_75] : memref<80x125xi32, #tpu.memory_space<vmem>> -> memref<1x125xi32, #tpu.memory_space<vmem>>
      %dma_start3A_77 = tpu.memref_squeeze %dma_start3A_76 : memref<1x125xi32, #tpu.memory_space<vmem>> -> memref<125xi32, #tpu.memory_space<vmem>>
      %dma_start3A_78 = arith.constant 0 : i32
      %dma_start3A_79 = arith.constant 0 : i32
      %dma_start3A_80 = tpu.memref_slice %arg9[%dma_start3A_78, %dma_start3A_79] : memref<10000x8xf32, #tpu.memory_space<vmem_shared>> -> memref<10000x8xf32, #tpu.memory_space<vmem_shared>>
      tpu.enqueue_indirect_dma source(%arg5 : memref<125x8xf32, #tpu.memory_space<vmem>>) target(%dma_start3A_80 : memref<10000x8xf32, #tpu.memory_space<vmem_shared>>) offsets(%dma_start3A_77 : memref<125xi32, #tpu.memory_space<vmem>>) semaphore(%arg8 : memref<!tpu.dma_semaphore, #tpu.memory_space<semaphore_mem>>) {add = true}
    }
    %scan3A_29 = arith.constant 39 : i32
    %dma_wait3A = arith.constant 78 : i32
    %dma_wait3A_30 = arith.constant 0 : i32
    %dma_wait3A_31 = tpu.memref_slice %arg4[%dma_wait3A, %dma_wait3A_30] : memref<80x125xi32, #tpu.memory_space<vmem>> -> memref<1x125xi32, #tpu.memory_space<vmem>>
    %dma_wait3A_32 = tpu.memref_squeeze %dma_wait3A_31 : memref<1x125xi32, #tpu.memory_space<vmem>> -> memref<125xi32, #tpu.memory_space<vmem>>
    %dma_wait3A_33 = arith.constant 0 : i32
    %dma_wait3A_34 = arith.constant 0 : i32
    %dma_wait3A_35 = tpu.memref_slice %arg9[%dma_wait3A_33, %dma_wait3A_34] : memref<10000x8xf32, #tpu.memory_space<vmem_shared>> -> memref<10000x8xf32, #tpu.memory_space<vmem_shared>>
    tpu.wait_indirect_dma semaphore(%arg7 : memref<!tpu.dma_semaphore, #tpu.memory_space<semaphore_mem>>) src(%arg5 : memref<125x8xf32, #tpu.memory_space<vmem>>) dst(%dma_wait3A_35 : memref<10000x8xf32, #tpu.memory_space<vmem_shared>>)
    %dma_wait3A_36 = arith.constant 79 : i32
    %dma_wait3A_37 = arith.constant 0 : i32
    %dma_wait3A_38 = tpu.memref_slice %arg4[%dma_wait3A_36, %dma_wait3A_37] : memref<80x125xi32, #tpu.memory_space<vmem>> -> memref<1x125xi32, #tpu.memory_space<vmem>>
    %dma_wait3A_39 = tpu.memref_squeeze %dma_wait3A_38 : memref<1x125xi32, #tpu.memory_space<vmem>> -> memref<125xi32, #tpu.memory_space<vmem>>
    %dma_wait3A_40 = arith.constant 0 : i32
    %dma_wait3A_41 = arith.constant 0 : i32
    %dma_wait3A_42 = tpu.memref_slice %arg9[%dma_wait3A_40, %dma_wait3A_41] : memref<10000x8xf32, #tpu.memory_space<vmem_shared>> -> memref<10000x8xf32, #tpu.memory_space<vmem_shared>>
    tpu.wait_indirect_dma semaphore(%arg8 : memref<!tpu.dma_semaphore, #tpu.memory_space<semaphore_mem>>) src(%arg5 : memref<125x8xf32, #tpu.memory_space<vmem>>) dst(%dma_wait3A_42 : memref<10000x8xf32, #tpu.memory_space<vmem_shared>>)
    %barrier3A_43 = arith.constant 0 : index
    tpu.barrier barrier_id(%barrier3A_43)
    "tpu.region"() ({
      %run_scoped3A = tpu.sem_alloc : memref<!tpu.dma_semaphore, #tpu.memory_space<semaphore_mem>>
      %dma_start3A_44 = arith.constant 0 : i32
      %dma_start3A_45 = tpu.memref_slice %arg9[%mul3A_2, %dma_start3A_44] : memref<10000x8xf32, #tpu.memory_space<vmem_shared>> -> memref<625x8xf32, #tpu.memory_space<vmem_shared>>
      %dma_start3A_46 = arith.constant 0 : i32
      %dma_start3A_47 = tpu.memref_slice %arg9[%mul3A_2, %dma_start3A_46] : memref<10000x8xf32, #tpu.memory_space<vmem_shared>> -> memref<625x8xf32, #tpu.memory_space<vmem_shared>>
      tpu.enqueue_dma source(%dma_start3A_47 : memref<625x8xf32, #tpu.memory_space<vmem_shared>>) target(%arg6 : memref<625x8xf32, #tpu.memory_space<vmem>>) target_semaphore(%run_scoped3A : memref<!tpu.dma_semaphore, #tpu.memory_space<semaphore_mem>>)
      %dma_wait3A_48 = arith.constant 0 : i32
      %dma_wait3A_49 = tpu.memref_slice %arg9[%mul3A_2, %dma_wait3A_48] : memref<10000x8xf32, #tpu.memory_space<vmem_shared>> -> memref<625x8xf32, #tpu.memory_space<vmem_shared>>
      %dma_wait3A_50 = arith.constant 0 : i32
      %dma_wait3A_51 = tpu.memref_slice %arg9[%mul3A_2, %dma_wait3A_50] : memref<10000x8xf32, #tpu.memory_space<vmem_shared>> -> memref<625x8xf32, #tpu.memory_space<vmem_shared>>
      tpu.wait_dma2 semaphore(%run_scoped3A : memref<!tpu.dma_semaphore, #tpu.memory_space<semaphore_mem>>) src(%dma_wait3A_51 : memref<625x8xf32, #tpu.memory_space<vmem_shared>>) dst(%arg6 : memref<625x8xf32, #tpu.memory_space<vmem>>)
      tpu.yield
    }) : () -> ()
    "tpu.region"() ({
      %run_scoped3A = tpu.sem_alloc : memref<!tpu.dma_semaphore, #tpu.memory_space<semaphore_mem>>
      %dma_start3A_44 = arith.constant 0 : i32
      %dma_start3A_45 = tpu.memref_slice %arg3[%arg0, %mul3A_2, %dma_start3A_44] : memref<2x10000x8xf32, #tpu.memory_space<hbm>> -> memref<1x625x8xf32, #tpu.memory_space<hbm>>
      %dma_start3A_46 = tpu.memref_squeeze %dma_start3A_45 : memref<1x625x8xf32, #tpu.memory_space<hbm>> -> memref<625x8xf32, #tpu.memory_space<hbm>>
      %dma_start3A_47 = arith.constant 0 : i32
      %dma_start3A_48 = tpu.memref_slice %arg3[%arg0, %mul3A_2, %dma_start3A_47] : memref<2x10000x8xf32, #tpu.memory_space<hbm>> -> memref<1x625x8xf32, #tpu.memory_space<hbm>>
      %dma_start3A_49 = tpu.memref_squeeze %dma_start3A_48 : memref<1x625x8xf32, #tpu.memory_space<hbm>> -> memref<625x8xf32, #tpu.memory_space<hbm>>
      tpu.enqueue_dma source(%arg6 : memref<625x8xf32, #tpu.memory_space<vmem>>) target(%dma_start3A_49 : memref<625x8xf32, #tpu.memory_space<hbm>>) target_semaphore(%run_scoped3A : memref<!tpu.dma_semaphore, #tpu.memory_space<semaphore_mem>>)
      %dma_wait3A_50 = arith.constant 0 : i32
      %dma_wait3A_51 = tpu.memref_slice %arg3[%arg0, %mul3A_2, %dma_wait3A_50] : memref<2x10000x8xf32, #tpu.memory_space<hbm>> -> memref<1x625x8xf32, #tpu.memory_space<hbm>>
      %dma_wait3A_52 = tpu.memref_squeeze %dma_wait3A_51 : memref<1x625x8xf32, #tpu.memory_space<hbm>> -> memref<625x8xf32, #tpu.memory_space<hbm>>
      %dma_wait3A_53 = arith.constant 0 : i32
      %dma_wait3A_54 = tpu.memref_slice %arg3[%arg0, %mul3A_2, %dma_wait3A_53] : memref<2x10000x8xf32, #tpu.memory_space<hbm>> -> memref<1x625x8xf32, #tpu.memory_space<hbm>>
      %dma_wait3A_55 = tpu.memref_squeeze %dma_wait3A_54 : memref<1x625x8xf32, #tpu.memory_space<hbm>> -> memref<625x8xf32, #tpu.memory_space<hbm>>
      tpu.wait_dma2 semaphore(%run_scoped3A : memref<!tpu.dma_semaphore, #tpu.memory_space<semaphore_mem>>) src(%arg6 : memref<625x8xf32, #tpu.memory_space<vmem>>) dst(%dma_wait3A_55 : memref<625x8xf32, #tpu.memory_space<hbm>>)
      tpu.yield
    }) : () -> ()
    return
  }
}

#map = affine_map<(d0, d1) -> (0, 0)>
#map1 = affine_map<(d0, d1) -> (0, 0, 0)>
module attributes {stable_mosaic.version = 14 : i64} {
  func.func @_agg_kernel(%arg0: i32, %arg1: i32, %arg2: memref<10000x128xf32, #tpu.memory_space<hbm>>, %arg3: memref<32x80x125xi32, #tpu.memory_space<hbm>>, %arg4: memref<32x80x125xi32, #tpu.memory_space<hbm>>, %arg5: memref<2x10000x128xf32, #tpu.memory_space<hbm>>, %arg6: memref<80x125xi32, #tpu.memory_space<vmem>>, %arg7: memref<80x125xi32, #tpu.memory_space<vmem>>, %arg8: memref<2x125x64xf32, #tpu.memory_space<vmem>>, %arg9: memref<!tpu.dma_semaphore, #tpu.memory_space<semaphore_mem>>, %arg10: memref<!tpu.dma_semaphore, #tpu.memory_space<semaphore_mem>>, %arg11: memref<!tpu.dma_semaphore, #tpu.memory_space<semaphore_mem>>, %arg12: memref<!tpu.dma_semaphore, #tpu.memory_space<semaphore_mem>>, %arg13: memref<10000x64xf32, #tpu.memory_space<vmem_shared>>, %arg14: memref<10000x64xf32, #tpu.memory_space<vmem_shared>>) attributes {dimension_semantics = [#tpu.dimension_semantics<core_parallel>, #tpu.dimension_semantics<subcore_parallel>], iteration_bounds = array<i64: 2, 16>, scalar_prefetch = 0 : i64, scratch_operands = 9 : i64, tpu.core_type = #tpu.core_type<sc_vector_subcore>, window_params = [{transform_indices = #map}, {transform_indices = #map1}, {transform_indices = #map1}, {transform_indices = #map1}]} {
    %mul3A = arith.constant 16 : i32
    %mul3A_0 = arith.muli %arg0, %mul3A : i32
    %add3A = arith.addi %mul3A_0, %arg1 : i32
    %mul3A_1 = arith.constant 625 : i32
    %mul3A_2 = arith.muli %arg1, %mul3A_1 : i32
    %mul3A_3 = arith.constant 625 : i32
    %mul3A_4 = arith.muli %arg1, %mul3A_3 : i32
    "tpu.region"() ({
      %run_scoped3A_248 = tpu.sem_alloc : memref<!tpu.dma_semaphore, #tpu.memory_space<semaphore_mem>>
      %dma_start3A_249 = arith.constant 0 : i32
      %dma_start3A_250 = arith.constant 0 : i32
      %dma_start3A_251 = tpu.memref_slice %arg3[%add3A, %dma_start3A_249, %dma_start3A_250] : memref<32x80x125xi32, #tpu.memory_space<hbm>> -> memref<1x80x125xi32, #tpu.memory_space<hbm>>
      %dma_start3A_252 = tpu.memref_squeeze %dma_start3A_251 : memref<1x80x125xi32, #tpu.memory_space<hbm>> -> memref<80x125xi32, #tpu.memory_space<hbm>>
      %dma_start3A_253 = arith.constant 0 : i32
      %dma_start3A_254 = arith.constant 0 : i32
      %dma_start3A_255 = tpu.memref_slice %arg3[%add3A, %dma_start3A_253, %dma_start3A_254] : memref<32x80x125xi32, #tpu.memory_space<hbm>> -> memref<1x80x125xi32, #tpu.memory_space<hbm>>
      %dma_start3A_256 = tpu.memref_squeeze %dma_start3A_255 : memref<1x80x125xi32, #tpu.memory_space<hbm>> -> memref<80x125xi32, #tpu.memory_space<hbm>>
      tpu.enqueue_dma source(%dma_start3A_256 : memref<80x125xi32, #tpu.memory_space<hbm>>) target(%arg6 : memref<80x125xi32, #tpu.memory_space<vmem>>) target_semaphore(%run_scoped3A_248 : memref<!tpu.dma_semaphore, #tpu.memory_space<semaphore_mem>>)
      %dma_wait3A_257 = arith.constant 0 : i32
      %dma_wait3A_258 = arith.constant 0 : i32
      %dma_wait3A_259 = tpu.memref_slice %arg3[%add3A, %dma_wait3A_257, %dma_wait3A_258] : memref<32x80x125xi32, #tpu.memory_space<hbm>> -> memref<1x80x125xi32, #tpu.memory_space<hbm>>
      %dma_wait3A_260 = tpu.memref_squeeze %dma_wait3A_259 : memref<1x80x125xi32, #tpu.memory_space<hbm>> -> memref<80x125xi32, #tpu.memory_space<hbm>>
      %dma_wait3A_261 = arith.constant 0 : i32
      %dma_wait3A_262 = arith.constant 0 : i32
      %dma_wait3A_263 = tpu.memref_slice %arg3[%add3A, %dma_wait3A_261, %dma_wait3A_262] : memref<32x80x125xi32, #tpu.memory_space<hbm>> -> memref<1x80x125xi32, #tpu.memory_space<hbm>>
      %dma_wait3A_264 = tpu.memref_squeeze %dma_wait3A_263 : memref<1x80x125xi32, #tpu.memory_space<hbm>> -> memref<80x125xi32, #tpu.memory_space<hbm>>
      tpu.wait_dma2 semaphore(%run_scoped3A_248 : memref<!tpu.dma_semaphore, #tpu.memory_space<semaphore_mem>>) src(%dma_wait3A_264 : memref<80x125xi32, #tpu.memory_space<hbm>>) dst(%arg6 : memref<80x125xi32, #tpu.memory_space<vmem>>)
      tpu.yield
    }) : () -> ()
    "tpu.region"() ({
      %run_scoped3A_248 = tpu.sem_alloc : memref<!tpu.dma_semaphore, #tpu.memory_space<semaphore_mem>>
      %dma_start3A_249 = arith.constant 0 : i32
      %dma_start3A_250 = arith.constant 0 : i32
      %dma_start3A_251 = tpu.memref_slice %arg4[%add3A, %dma_start3A_249, %dma_start3A_250] : memref<32x80x125xi32, #tpu.memory_space<hbm>> -> memref<1x80x125xi32, #tpu.memory_space<hbm>>
      %dma_start3A_252 = tpu.memref_squeeze %dma_start3A_251 : memref<1x80x125xi32, #tpu.memory_space<hbm>> -> memref<80x125xi32, #tpu.memory_space<hbm>>
      %dma_start3A_253 = arith.constant 0 : i32
      %dma_start3A_254 = arith.constant 0 : i32
      %dma_start3A_255 = tpu.memref_slice %arg4[%add3A, %dma_start3A_253, %dma_start3A_254] : memref<32x80x125xi32, #tpu.memory_space<hbm>> -> memref<1x80x125xi32, #tpu.memory_space<hbm>>
      %dma_start3A_256 = tpu.memref_squeeze %dma_start3A_255 : memref<1x80x125xi32, #tpu.memory_space<hbm>> -> memref<80x125xi32, #tpu.memory_space<hbm>>
      tpu.enqueue_dma source(%dma_start3A_256 : memref<80x125xi32, #tpu.memory_space<hbm>>) target(%arg7 : memref<80x125xi32, #tpu.memory_space<vmem>>) target_semaphore(%run_scoped3A_248 : memref<!tpu.dma_semaphore, #tpu.memory_space<semaphore_mem>>)
      %dma_wait3A_257 = arith.constant 0 : i32
      %dma_wait3A_258 = arith.constant 0 : i32
      %dma_wait3A_259 = tpu.memref_slice %arg4[%add3A, %dma_wait3A_257, %dma_wait3A_258] : memref<32x80x125xi32, #tpu.memory_space<hbm>> -> memref<1x80x125xi32, #tpu.memory_space<hbm>>
      %dma_wait3A_260 = tpu.memref_squeeze %dma_wait3A_259 : memref<1x80x125xi32, #tpu.memory_space<hbm>> -> memref<80x125xi32, #tpu.memory_space<hbm>>
      %dma_wait3A_261 = arith.constant 0 : i32
      %dma_wait3A_262 = arith.constant 0 : i32
      %dma_wait3A_263 = tpu.memref_slice %arg4[%add3A, %dma_wait3A_261, %dma_wait3A_262] : memref<32x80x125xi32, #tpu.memory_space<hbm>> -> memref<1x80x125xi32, #tpu.memory_space<hbm>>
      %dma_wait3A_264 = tpu.memref_squeeze %dma_wait3A_263 : memref<1x80x125xi32, #tpu.memory_space<hbm>> -> memref<80x125xi32, #tpu.memory_space<hbm>>
      tpu.wait_dma2 semaphore(%run_scoped3A_248 : memref<!tpu.dma_semaphore, #tpu.memory_space<semaphore_mem>>) src(%dma_wait3A_264 : memref<80x125xi32, #tpu.memory_space<hbm>>) dst(%arg7 : memref<80x125xi32, #tpu.memory_space<vmem>>)
      tpu.yield
    }) : () -> ()
    %scan3A = arith.constant 0 : i32
    %scan3A_5 = arith.constant 125 : i32
    %scan3A_6 = arith.addi %scan3A, %scan3A_5 : i32
    %scan3A_7 = arith.constant 1 : i32
    scf.for %scan3A_248 = %scan3A to %scan3A_6 step %scan3A_7  : i32 {
      %mul3A_249 = arith.constant 1 : i32
      %mul3A_250 = arith.muli %scan3A_248, %mul3A_249 : i32
      %add3A_251 = arith.constant 0 : i32
      %add3A_252 = arith.addi %add3A_251, %mul3A_250 : i32
      %broadcast_in_dim3A = arith.constant 0.000000e+00 : f32
      %broadcast_in_dim3A_253 = vector.broadcast %broadcast_in_dim3A : f32 to vector<16xf32>
      %swap3A = arith.constant 0 : i32
      %swap3A_254 = arith.index_cast %swap3A : i32 to index
      %swap3A_255 = arith.index_cast %add3A_252 : i32 to index
      %swap3A_256 = arith.constant 0 : index
      %swap3A_257 = tpu.vector_load %arg8[%swap3A_254, %swap3A_255, %swap3A_256] {strides = array<i32>} : memref<2x125x64xf32, #tpu.memory_space<vmem>>, vector<1x1x16xf32>,
      %swap3A_258 = vector.shape_cast %swap3A_257 : vector<1x1x16xf32> to vector<16xf32>
      %swap3A_259 = vector.shape_cast %broadcast_in_dim3A_253 : vector<16xf32> to vector<1x1x16xf32>
      tpu.vector_store %arg8[%swap3A_254, %swap3A_255, %swap3A_256], %swap3A_259 {strides = array<i32>} : memref<2x125x64xf32, #tpu.memory_space<vmem>>, vector<1x1x16xf32>,
      %broadcast_in_dim3A_260 = arith.constant 0.000000e+00 : f32
      %broadcast_in_dim3A_261 = vector.broadcast %broadcast_in_dim3A_260 : f32 to vector<16xf32>
      %swap3A_262 = arith.constant 0 : i32
      %swap3A_263 = arith.index_cast %swap3A_262 : i32 to index
      %swap3A_264 = arith.index_cast %add3A_252 : i32 to index
      %swap3A_265 = arith.constant 16 : index
      %swap3A_266 = tpu.vector_load %arg8[%swap3A_263, %swap3A_264, %swap3A_265] {strides = array<i32>} : memref<2x125x64xf32, #tpu.memory_space<vmem>>, vector<1x1x16xf32>,
      %swap3A_267 = vector.shape_cast %swap3A_266 : vector<1x1x16xf32> to vector<16xf32>
      %swap3A_268 = vector.shape_cast %broadcast_in_dim3A_261 : vector<16xf32> to vector<1x1x16xf32>
      tpu.vector_store %arg8[%swap3A_263, %swap3A_264, %swap3A_265], %swap3A_268 {strides = array<i32>} : memref<2x125x64xf32, #tpu.memory_space<vmem>>, vector<1x1x16xf32>,
      %broadcast_in_dim3A_269 = arith.constant 0.000000e+00 : f32
      %broadcast_in_dim3A_270 = vector.broadcast %broadcast_in_dim3A_269 : f32 to vector<16xf32>
      %swap3A_271 = arith.constant 0 : i32
      %swap3A_272 = arith.index_cast %swap3A_271 : i32 to index
      %swap3A_273 = arith.index_cast %add3A_252 : i32 to index
      %swap3A_274 = arith.constant 32 : index
      %swap3A_275 = tpu.vector_load %arg8[%swap3A_272, %swap3A_273, %swap3A_274] {strides = array<i32>} : memref<2x125x64xf32, #tpu.memory_space<vmem>>, vector<1x1x16xf32>,
      %swap3A_276 = vector.shape_cast %swap3A_275 : vector<1x1x16xf32> to vector<16xf32>
      %swap3A_277 = vector.shape_cast %broadcast_in_dim3A_270 : vector<16xf32> to vector<1x1x16xf32>
      tpu.vector_store %arg8[%swap3A_272, %swap3A_273, %swap3A_274], %swap3A_277 {strides = array<i32>} : memref<2x125x64xf32, #tpu.memory_space<vmem>>, vector<1x1x16xf32>,
      %broadcast_in_dim3A_278 = arith.constant 0.000000e+00 : f32
      %broadcast_in_dim3A_279 = vector.broadcast %broadcast_in_dim3A_278 : f32 to vector<16xf32>
      %swap3A_280 = arith.constant 0 : i32
      %swap3A_281 = arith.index_cast %swap3A_280 : i32 to index
      %swap3A_282 = arith.index_cast %add3A_252 : i32 to index
      %swap3A_283 = arith.constant 48 : index
      %swap3A_284 = tpu.vector_load %arg8[%swap3A_281, %swap3A_282, %swap3A_283] {strides = array<i32>} : memref<2x125x64xf32, #tpu.memory_space<vmem>>, vector<1x1x16xf32>,
      %swap3A_285 = vector.shape_cast %swap3A_284 : vector<1x1x16xf32> to vector<16xf32>
      %swap3A_286 = vector.shape_cast %broadcast_in_dim3A_279 : vector<16xf32> to vector<1x1x16xf32>
      tpu.vector_store %arg8[%swap3A_281, %swap3A_282, %swap3A_283], %swap3A_286 {strides = array<i32>} : memref<2x125x64xf32, #tpu.memory_space<vmem>>, vector<1x1x16xf32>,
    }
    %scan3A_8 = arith.constant 125 : i32
    %add3A_9 = arith.constant 0 : i32
    %add3A_10 = arith.addi %mul3A_2, %add3A_9 : i32
    %run_scoped3A = arith.constant 0 : i32
    "tpu.region"() ({
      %run_scoped3A_248 = tpu.sem_alloc : memref<!tpu.dma_semaphore, #tpu.memory_space<semaphore_mem>>
      %dma_start3A_249 = arith.constant 0 : i32
      %dma_start3A_250 = arith.constant 0 : i32
      %dma_start3A_251 = tpu.memref_slice %arg8[%run_scoped3A, %dma_start3A_249, %dma_start3A_250] : memref<2x125x64xf32, #tpu.memory_space<vmem>> -> memref<1x125x64xf32, #tpu.memory_space<vmem>>
      %dma_start3A_252 = tpu.memref_squeeze %dma_start3A_251 : memref<1x125x64xf32, #tpu.memory_space<vmem>> -> memref<125x64xf32, #tpu.memory_space<vmem>>
      %dma_start3A_253 = arith.constant 0 : i32
      %dma_start3A_254 = tpu.memref_slice %arg14[%add3A_10, %dma_start3A_253] : memref<10000x64xf32, #tpu.memory_space<vmem_shared>> -> memref<125x64xf32, #tpu.memory_space<vmem_shared>>
      %dma_start3A_255 = arith.constant 0 : i32
      %dma_start3A_256 = tpu.memref_slice %arg14[%add3A_10, %dma_start3A_255] : memref<10000x64xf32, #tpu.memory_space<vmem_shared>> -> memref<125x64xf32, #tpu.memory_space<vmem_shared>>
      %dma_start3A_257 = arith.constant 0 : i32
      %dma_start3A_258 = arith.constant 0 : i32
      %dma_start3A_259 = tpu.memref_slice %arg8[%run_scoped3A, %dma_start3A_257, %dma_start3A_258] : memref<2x125x64xf32, #tpu.memory_space<vmem>> -> memref<1x125x64xf32, #tpu.memory_space<vmem>>
      %dma_start3A_260 = tpu.memref_squeeze %dma_start3A_259 : memref<1x125x64xf32, #tpu.memory_space<vmem>> -> memref<125x64xf32, #tpu.memory_space<vmem>>
      tpu.enqueue_dma source(%dma_start3A_260 : memref<125x64xf32, #tpu.memory_space<vmem>>) target(%dma_start3A_256 : memref<125x64xf32, #tpu.memory_space<vmem_shared>>) target_semaphore(%run_scoped3A_248 : memref<!tpu.dma_semaphore, #tpu.memory_space<semaphore_mem>>)
      %dma_wait3A_261 = arith.constant 0 : i32
      %dma_wait3A_262 = arith.constant 0 : i32
      %dma_wait3A_263 = tpu.memref_slice %arg8[%run_scoped3A, %dma_wait3A_261, %dma_wait3A_262] : memref<2x125x64xf32, #tpu.memory_space<vmem>> -> memref<1x125x64xf32, #tpu.memory_space<vmem>>
      %dma_wait3A_264 = tpu.memref_squeeze %dma_wait3A_263 : memref<1x125x64xf32, #tpu.memory_space<vmem>> -> memref<125x64xf32, #tpu.memory_space<vmem>>
      %dma_wait3A_265 = arith.constant 0 : i32
      %dma_wait3A_266 = tpu.memref_slice %arg14[%add3A_10, %dma_wait3A_265] : memref<10000x64xf32, #tpu.memory_space<vmem_shared>> -> memref<125x64xf32, #tpu.memory_space<vmem_shared>>
      %dma_wait3A_267 = arith.constant 0 : i32
      %dma_wait3A_268 = tpu.memref_slice %arg14[%add3A_10, %dma_wait3A_267] : memref<10000x64xf32, #tpu.memory_space<vmem_shared>> -> memref<125x64xf32, #tpu.memory_space<vmem_shared>>
      %dma_wait3A_269 = arith.constant 0 : i32
      %dma_wait3A_270 = arith.constant 0 : i32
      %dma_wait3A_271 = tpu.memref_slice %arg8[%run_scoped3A, %dma_wait3A_269, %dma_wait3A_270] : memref<2x125x64xf32, #tpu.memory_space<vmem>> -> memref<1x125x64xf32, #tpu.memory_space<vmem>>
      %dma_wait3A_272 = tpu.memref_squeeze %dma_wait3A_271 : memref<1x125x64xf32, #tpu.memory_space<vmem>> -> memref<125x64xf32, #tpu.memory_space<vmem>>
      tpu.wait_dma2 semaphore(%run_scoped3A_248 : memref<!tpu.dma_semaphore, #tpu.memory_space<semaphore_mem>>) src(%dma_wait3A_272 : memref<125x64xf32, #tpu.memory_space<vmem>>) dst(%dma_wait3A_268 : memref<125x64xf32, #tpu.memory_space<vmem_shared>>)
      tpu.yield
    }) : () -> ()
    %add3A_11 = arith.constant 125 : i32
    %add3A_12 = arith.addi %mul3A_2, %add3A_11 : i32
    %run_scoped3A_13 = arith.constant 0 : i32
    "tpu.region"() ({
      %run_scoped3A_248 = tpu.sem_alloc : memref<!tpu.dma_semaphore, #tpu.memory_space<semaphore_mem>>
      %dma_start3A_249 = arith.constant 0 : i32
      %dma_start3A_250 = arith.constant 0 : i32
      %dma_start3A_251 = tpu.memref_slice %arg8[%run_scoped3A_13, %dma_start3A_249, %dma_start3A_250] : memref<2x125x64xf32, #tpu.memory_space<vmem>> -> memref<1x125x64xf32, #tpu.memory_space<vmem>>
      %dma_start3A_252 = tpu.memref_squeeze %dma_start3A_251 : memref<1x125x64xf32, #tpu.memory_space<vmem>> -> memref<125x64xf32, #tpu.memory_space<vmem>>
      %dma_start3A_253 = arith.constant 0 : i32
      %dma_start3A_254 = tpu.memref_slice %arg14[%add3A_12, %dma_start3A_253] : memref<10000x64xf32, #tpu.memory_space<vmem_shared>> -> memref<125x64xf32, #tpu.memory_space<vmem_shared>>
      %dma_start3A_255 = arith.constant 0 : i32
      %dma_start3A_256 = tpu.memref_slice %arg14[%add3A_12, %dma_start3A_255] : memref<10000x64xf32, #tpu.memory_space<vmem_shared>> -> memref<125x64xf32, #tpu.memory_space<vmem_shared>>
      %dma_start3A_257 = arith.constant 0 : i32
      %dma_start3A_258 = arith.constant 0 : i32
      %dma_start3A_259 = tpu.memref_slice %arg8[%run_scoped3A_13, %dma_start3A_257, %dma_start3A_258] : memref<2x125x64xf32, #tpu.memory_space<vmem>> -> memref<1x125x64xf32, #tpu.memory_space<vmem>>
      %dma_start3A_260 = tpu.memref_squeeze %dma_start3A_259 : memref<1x125x64xf32, #tpu.memory_space<vmem>> -> memref<125x64xf32, #tpu.memory_space<vmem>>
      tpu.enqueue_dma source(%dma_start3A_260 : memref<125x64xf32, #tpu.memory_space<vmem>>) target(%dma_start3A_256 : memref<125x64xf32, #tpu.memory_space<vmem_shared>>) target_semaphore(%run_scoped3A_248 : memref<!tpu.dma_semaphore, #tpu.memory_space<semaphore_mem>>)
      %dma_wait3A_261 = arith.constant 0 : i32
      %dma_wait3A_262 = arith.constant 0 : i32
      %dma_wait3A_263 = tpu.memref_slice %arg8[%run_scoped3A_13, %dma_wait3A_261, %dma_wait3A_262] : memref<2x125x64xf32, #tpu.memory_space<vmem>> -> memref<1x125x64xf32, #tpu.memory_space<vmem>>
      %dma_wait3A_264 = tpu.memref_squeeze %dma_wait3A_263 : memref<1x125x64xf32, #tpu.memory_space<vmem>> -> memref<125x64xf32, #tpu.memory_space<vmem>>
      %dma_wait3A_265 = arith.constant 0 : i32
      %dma_wait3A_266 = tpu.memref_slice %arg14[%add3A_12, %dma_wait3A_265] : memref<10000x64xf32, #tpu.memory_space<vmem_shared>> -> memref<125x64xf32, #tpu.memory_space<vmem_shared>>
      %dma_wait3A_267 = arith.constant 0 : i32
      %dma_wait3A_268 = tpu.memref_slice %arg14[%add3A_12, %dma_wait3A_267] : memref<10000x64xf32, #tpu.memory_space<vmem_shared>> -> memref<125x64xf32, #tpu.memory_space<vmem_shared>>
      %dma_wait3A_269 = arith.constant 0 : i32
      %dma_wait3A_270 = arith.constant 0 : i32
      %dma_wait3A_271 = tpu.memref_slice %arg8[%run_scoped3A_13, %dma_wait3A_269, %dma_wait3A_270] : memref<2x125x64xf32, #tpu.memory_space<vmem>> -> memref<1x125x64xf32, #tpu.memory_space<vmem>>
      %dma_wait3A_272 = tpu.memref_squeeze %dma_wait3A_271 : memref<1x125x64xf32, #tpu.memory_space<vmem>> -> memref<125x64xf32, #tpu.memory_space<vmem>>
      tpu.wait_dma2 semaphore(%run_scoped3A_248 : memref<!tpu.dma_semaphore, #tpu.memory_space<semaphore_mem>>) src(%dma_wait3A_272 : memref<125x64xf32, #tpu.memory_space<vmem>>) dst(%dma_wait3A_268 : memref<125x64xf32, #tpu.memory_space<vmem_shared>>)
      tpu.yield
    }) : () -> ()
    %add3A_14 = arith.constant 250 : i32
    %add3A_15 = arith.addi %mul3A_2, %add3A_14 : i32
    %run_scoped3A_16 = arith.constant 0 : i32
    "tpu.region"() ({
      %run_scoped3A_248 = tpu.sem_alloc : memref<!tpu.dma_semaphore, #tpu.memory_space<semaphore_mem>>
      %dma_start3A_249 = arith.constant 0 : i32
      %dma_start3A_250 = arith.constant 0 : i32
      %dma_start3A_251 = tpu.memref_slice %arg8[%run_scoped3A_16, %dma_start3A_249, %dma_start3A_250] : memref<2x125x64xf32, #tpu.memory_space<vmem>> -> memref<1x125x64xf32, #tpu.memory_space<vmem>>
      %dma_start3A_252 = tpu.memref_squeeze %dma_start3A_251 : memref<1x125x64xf32, #tpu.memory_space<vmem>> -> memref<125x64xf32, #tpu.memory_space<vmem>>
      %dma_start3A_253 = arith.constant 0 : i32
      %dma_start3A_254 = tpu.memref_slice %arg14[%add3A_15, %dma_start3A_253] : memref<10000x64xf32, #tpu.memory_space<vmem_shared>> -> memref<125x64xf32, #tpu.memory_space<vmem_shared>>
      %dma_start3A_255 = arith.constant 0 : i32
      %dma_start3A_256 = tpu.memref_slice %arg14[%add3A_15, %dma_start3A_255] : memref<10000x64xf32, #tpu.memory_space<vmem_shared>> -> memref<125x64xf32, #tpu.memory_space<vmem_shared>>
      %dma_start3A_257 = arith.constant 0 : i32
      %dma_start3A_258 = arith.constant 0 : i32
      %dma_start3A_259 = tpu.memref_slice %arg8[%run_scoped3A_16, %dma_start3A_257, %dma_start3A_258] : memref<2x125x64xf32, #tpu.memory_space<vmem>> -> memref<1x125x64xf32, #tpu.memory_space<vmem>>
      %dma_start3A_260 = tpu.memref_squeeze %dma_start3A_259 : memref<1x125x64xf32, #tpu.memory_space<vmem>> -> memref<125x64xf32, #tpu.memory_space<vmem>>
      tpu.enqueue_dma source(%dma_start3A_260 : memref<125x64xf32, #tpu.memory_space<vmem>>) target(%dma_start3A_256 : memref<125x64xf32, #tpu.memory_space<vmem_shared>>) target_semaphore(%run_scoped3A_248 : memref<!tpu.dma_semaphore, #tpu.memory_space<semaphore_mem>>)
      %dma_wait3A_261 = arith.constant 0 : i32
      %dma_wait3A_262 = arith.constant 0 : i32
      %dma_wait3A_263 = tpu.memref_slice %arg8[%run_scoped3A_16, %dma_wait3A_261, %dma_wait3A_262] : memref<2x125x64xf32, #tpu.memory_space<vmem>> -> memref<1x125x64xf32, #tpu.memory_space<vmem>>
      %dma_wait3A_264 = tpu.memref_squeeze %dma_wait3A_263 : memref<1x125x64xf32, #tpu.memory_space<vmem>> -> memref<125x64xf32, #tpu.memory_space<vmem>>
      %dma_wait3A_265 = arith.constant 0 : i32
      %dma_wait3A_266 = tpu.memref_slice %arg14[%add3A_15, %dma_wait3A_265] : memref<10000x64xf32, #tpu.memory_space<vmem_shared>> -> memref<125x64xf32, #tpu.memory_space<vmem_shared>>
      %dma_wait3A_267 = arith.constant 0 : i32
      %dma_wait3A_268 = tpu.memref_slice %arg14[%add3A_15, %dma_wait3A_267] : memref<10000x64xf32, #tpu.memory_space<vmem_shared>> -> memref<125x64xf32, #tpu.memory_space<vmem_shared>>
      %dma_wait3A_269 = arith.constant 0 : i32
      %dma_wait3A_270 = arith.constant 0 : i32
      %dma_wait3A_271 = tpu.memref_slice %arg8[%run_scoped3A_16, %dma_wait3A_269, %dma_wait3A_270] : memref<2x125x64xf32, #tpu.memory_space<vmem>> -> memref<1x125x64xf32, #tpu.memory_space<vmem>>
      %dma_wait3A_272 = tpu.memref_squeeze %dma_wait3A_271 : memref<1x125x64xf32, #tpu.memory_space<vmem>> -> memref<125x64xf32, #tpu.memory_space<vmem>>
      tpu.wait_dma2 semaphore(%run_scoped3A_248 : memref<!tpu.dma_semaphore, #tpu.memory_space<semaphore_mem>>) src(%dma_wait3A_272 : memref<125x64xf32, #tpu.memory_space<vmem>>) dst(%dma_wait3A_268 : memref<125x64xf32, #tpu.memory_space<vmem_shared>>)
      tpu.yield
    }) : () -> ()
    %add3A_17 = arith.constant 375 : i32
    %add3A_18 = arith.addi %mul3A_2, %add3A_17 : i32
    %run_scoped3A_19 = arith.constant 0 : i32
    "tpu.region"() ({
      %run_scoped3A_248 = tpu.sem_alloc : memref<!tpu.dma_semaphore, #tpu.memory_space<semaphore_mem>>
      %dma_start3A_249 = arith.constant 0 : i32
      %dma_start3A_250 = arith.constant 0 : i32
      %dma_start3A_251 = tpu.memref_slice %arg8[%run_scoped3A_19, %dma_start3A_249, %dma_start3A_250] : memref<2x125x64xf32, #tpu.memory_space<vmem>> -> memref<1x125x64xf32, #tpu.memory_space<vmem>>
      %dma_start3A_252 = tpu.memref_squeeze %dma_start3A_251 : memref<1x125x64xf32, #tpu.memory_space<vmem>> -> memref<125x64xf32, #tpu.memory_space<vmem>>
      %dma_start3A_253 = arith.constant 0 : i32
      %dma_start3A_254 = tpu.memref_slice %arg14[%add3A_18, %dma_start3A_253] : memref<10000x64xf32, #tpu.memory_space<vmem_shared>> -> memref<125x64xf32, #tpu.memory_space<vmem_shared>>
      %dma_start3A_255 = arith.constant 0 : i32
      %dma_start3A_256 = tpu.memref_slice %arg14[%add3A_18, %dma_start3A_255] : memref<10000x64xf32, #tpu.memory_space<vmem_shared>> -> memref<125x64xf32, #tpu.memory_space<vmem_shared>>
      %dma_start3A_257 = arith.constant 0 : i32
      %dma_start3A_258 = arith.constant 0 : i32
      %dma_start3A_259 = tpu.memref_slice %arg8[%run_scoped3A_19, %dma_start3A_257, %dma_start3A_258] : memref<2x125x64xf32, #tpu.memory_space<vmem>> -> memref<1x125x64xf32, #tpu.memory_space<vmem>>
      %dma_start3A_260 = tpu.memref_squeeze %dma_start3A_259 : memref<1x125x64xf32, #tpu.memory_space<vmem>> -> memref<125x64xf32, #tpu.memory_space<vmem>>
      tpu.enqueue_dma source(%dma_start3A_260 : memref<125x64xf32, #tpu.memory_space<vmem>>) target(%dma_start3A_256 : memref<125x64xf32, #tpu.memory_space<vmem_shared>>) target_semaphore(%run_scoped3A_248 : memref<!tpu.dma_semaphore, #tpu.memory_space<semaphore_mem>>)
      %dma_wait3A_261 = arith.constant 0 : i32
      %dma_wait3A_262 = arith.constant 0 : i32
      %dma_wait3A_263 = tpu.memref_slice %arg8[%run_scoped3A_19, %dma_wait3A_261, %dma_wait3A_262] : memref<2x125x64xf32, #tpu.memory_space<vmem>> -> memref<1x125x64xf32, #tpu.memory_space<vmem>>
      %dma_wait3A_264 = tpu.memref_squeeze %dma_wait3A_263 : memref<1x125x64xf32, #tpu.memory_space<vmem>> -> memref<125x64xf32, #tpu.memory_space<vmem>>
      %dma_wait3A_265 = arith.constant 0 : i32
      %dma_wait3A_266 = tpu.memref_slice %arg14[%add3A_18, %dma_wait3A_265] : memref<10000x64xf32, #tpu.memory_space<vmem_shared>> -> memref<125x64xf32, #tpu.memory_space<vmem_shared>>
      %dma_wait3A_267 = arith.constant 0 : i32
      %dma_wait3A_268 = tpu.memref_slice %arg14[%add3A_18, %dma_wait3A_267] : memref<10000x64xf32, #tpu.memory_space<vmem_shared>> -> memref<125x64xf32, #tpu.memory_space<vmem_shared>>
      %dma_wait3A_269 = arith.constant 0 : i32
      %dma_wait3A_270 = arith.constant 0 : i32
      %dma_wait3A_271 = tpu.memref_slice %arg8[%run_scoped3A_19, %dma_wait3A_269, %dma_wait3A_270] : memref<2x125x64xf32, #tpu.memory_space<vmem>> -> memref<1x125x64xf32, #tpu.memory_space<vmem>>
      %dma_wait3A_272 = tpu.memref_squeeze %dma_wait3A_271 : memref<1x125x64xf32, #tpu.memory_space<vmem>> -> memref<125x64xf32, #tpu.memory_space<vmem>>
      tpu.wait_dma2 semaphore(%run_scoped3A_248 : memref<!tpu.dma_semaphore, #tpu.memory_space<semaphore_mem>>) src(%dma_wait3A_272 : memref<125x64xf32, #tpu.memory_space<vmem>>) dst(%dma_wait3A_268 : memref<125x64xf32, #tpu.memory_space<vmem_shared>>)
      tpu.yield
    }) : () -> ()
    %add3A_20 = arith.constant 500 : i32
    %add3A_21 = arith.addi %mul3A_2, %add3A_20 : i32
    %run_scoped3A_22 = arith.constant 0 : i32
    "tpu.region"() ({
      %run_scoped3A_248 = tpu.sem_alloc : memref<!tpu.dma_semaphore, #tpu.memory_space<semaphore_mem>>
      %dma_start3A_249 = arith.constant 0 : i32
      %dma_start3A_250 = arith.constant 0 : i32
      %dma_start3A_251 = tpu.memref_slice %arg8[%run_scoped3A_22, %dma_start3A_249, %dma_start3A_250] : memref<2x125x64xf32, #tpu.memory_space<vmem>> -> memref<1x125x64xf32, #tpu.memory_space<vmem>>
      %dma_start3A_252 = tpu.memref_squeeze %dma_start3A_251 : memref<1x125x64xf32, #tpu.memory_space<vmem>> -> memref<125x64xf32, #tpu.memory_space<vmem>>
      %dma_start3A_253 = arith.constant 0 : i32
      %dma_start3A_254 = tpu.memref_slice %arg14[%add3A_21, %dma_start3A_253] : memref<10000x64xf32, #tpu.memory_space<vmem_shared>> -> memref<125x64xf32, #tpu.memory_space<vmem_shared>>
      %dma_start3A_255 = arith.constant 0 : i32
      %dma_start3A_256 = tpu.memref_slice %arg14[%add3A_21, %dma_start3A_255] : memref<10000x64xf32, #tpu.memory_space<vmem_shared>> -> memref<125x64xf32, #tpu.memory_space<vmem_shared>>
      %dma_start3A_257 = arith.constant 0 : i32
      %dma_start3A_258 = arith.constant 0 : i32
      %dma_start3A_259 = tpu.memref_slice %arg8[%run_scoped3A_22, %dma_start3A_257, %dma_start3A_258] : memref<2x125x64xf32, #tpu.memory_space<vmem>> -> memref<1x125x64xf32, #tpu.memory_space<vmem>>
      %dma_start3A_260 = tpu.memref_squeeze %dma_start3A_259 : memref<1x125x64xf32, #tpu.memory_space<vmem>> -> memref<125x64xf32, #tpu.memory_space<vmem>>
      tpu.enqueue_dma source(%dma_start3A_260 : memref<125x64xf32, #tpu.memory_space<vmem>>) target(%dma_start3A_256 : memref<125x64xf32, #tpu.memory_space<vmem_shared>>) target_semaphore(%run_scoped3A_248 : memref<!tpu.dma_semaphore, #tpu.memory_space<semaphore_mem>>)
      %dma_wait3A_261 = arith.constant 0 : i32
      %dma_wait3A_262 = arith.constant 0 : i32
      %dma_wait3A_263 = tpu.memref_slice %arg8[%run_scoped3A_22, %dma_wait3A_261, %dma_wait3A_262] : memref<2x125x64xf32, #tpu.memory_space<vmem>> -> memref<1x125x64xf32, #tpu.memory_space<vmem>>
      %dma_wait3A_264 = tpu.memref_squeeze %dma_wait3A_263 : memref<1x125x64xf32, #tpu.memory_space<vmem>> -> memref<125x64xf32, #tpu.memory_space<vmem>>
      %dma_wait3A_265 = arith.constant 0 : i32
      %dma_wait3A_266 = tpu.memref_slice %arg14[%add3A_21, %dma_wait3A_265] : memref<10000x64xf32, #tpu.memory_space<vmem_shared>> -> memref<125x64xf32, #tpu.memory_space<vmem_shared>>
      %dma_wait3A_267 = arith.constant 0 : i32
      %dma_wait3A_268 = tpu.memref_slice %arg14[%add3A_21, %dma_wait3A_267] : memref<10000x64xf32, #tpu.memory_space<vmem_shared>> -> memref<125x64xf32, #tpu.memory_space<vmem_shared>>
      %dma_wait3A_269 = arith.constant 0 : i32
      %dma_wait3A_270 = arith.constant 0 : i32
      %dma_wait3A_271 = tpu.memref_slice %arg8[%run_scoped3A_22, %dma_wait3A_269, %dma_wait3A_270] : memref<2x125x64xf32, #tpu.memory_space<vmem>> -> memref<1x125x64xf32, #tpu.memory_space<vmem>>
      %dma_wait3A_272 = tpu.memref_squeeze %dma_wait3A_271 : memref<1x125x64xf32, #tpu.memory_space<vmem>> -> memref<125x64xf32, #tpu.memory_space<vmem>>
      tpu.wait_dma2 semaphore(%run_scoped3A_248 : memref<!tpu.dma_semaphore, #tpu.memory_space<semaphore_mem>>) src(%dma_wait3A_272 : memref<125x64xf32, #tpu.memory_space<vmem>>) dst(%dma_wait3A_268 : memref<125x64xf32, #tpu.memory_space<vmem_shared>>)
      tpu.yield
    }) : () -> ()
    "tpu.region"() ({
      %run_scoped3A_248 = tpu.sem_alloc : memref<!tpu.dma_semaphore, #tpu.memory_space<semaphore_mem>>
      %dma_start3A_249 = arith.constant 0 : i32
      %dma_start3A_250 = tpu.memref_slice %arg13[%mul3A_4, %dma_start3A_249] : memref<10000x64xf32, #tpu.memory_space<vmem_shared>> -> memref<625x64xf32, #tpu.memory_space<vmem_shared>>
      %dma_start3A_251 = arith.constant 0 : i32
      %dma_start3A_252 = tpu.memref_slice %arg2[%mul3A_4, %dma_start3A_251] : memref<10000x128xf32, #tpu.memory_space<hbm>> -> memref<625x64xf32, #tpu.memory_space<hbm>>
      tpu.enqueue_dma source(%dma_start3A_252 : memref<625x64xf32, #tpu.memory_space<hbm>>) target(%dma_start3A_250 : memref<625x64xf32, #tpu.memory_space<vmem_shared>>) target_semaphore(%run_scoped3A_248 : memref<!tpu.dma_semaphore, #tpu.memory_space<semaphore_mem>>)
      %dma_wait3A_253 = arith.constant 0 : i32
      %dma_wait3A_254 = tpu.memref_slice %arg13[%mul3A_4, %dma_wait3A_253] : memref<10000x64xf32, #tpu.memory_space<vmem_shared>> -> memref<625x64xf32, #tpu.memory_space<vmem_shared>>
      %dma_wait3A_255 = arith.constant 0 : i32
      %dma_wait3A_256 = tpu.memref_slice %arg2[%mul3A_4, %dma_wait3A_255] : memref<10000x128xf32, #tpu.memory_space<hbm>> -> memref<625x64xf32, #tpu.memory_space<hbm>>
      tpu.wait_dma2 semaphore(%run_scoped3A_248 : memref<!tpu.dma_semaphore, #tpu.memory_space<semaphore_mem>>) src(%dma_wait3A_256 : memref<625x64xf32, #tpu.memory_space<hbm>>) dst(%dma_wait3A_254 : memref<625x64xf32, #tpu.memory_space<vmem_shared>>)
      tpu.yield
    }) : () -> ()
    %barrier3A = arith.constant 0 : index
    tpu.barrier barrier_id(%barrier3A)
    %dma_start3A = arith.constant 0 : i32
    %dma_start3A_23 = arith.constant 0 : i32
    %dma_start3A_24 = arith.constant 0 : i32
    %dma_start3A_25 = arith.constant 0 : i32
    %dma_start3A_26 = tpu.memref_slice %arg8[%dma_start3A_23, %dma_start3A_24, %dma_start3A_25] : memref<2x125x64xf32, #tpu.memory_space<vmem>> -> memref<1x125x64xf32, #tpu.memory_space<vmem>>
    %dma_start3A_27 = tpu.memref_squeeze %dma_start3A_26 : memref<1x125x64xf32, #tpu.memory_space<vmem>> -> memref<125x64xf32, #tpu.memory_space<vmem>>
    %dma_start3A_28 = arith.constant 0 : i32
    %dma_start3A_29 = tpu.memref_slice %arg6[%dma_start3A, %dma_start3A_28] : memref<80x125xi32, #tpu.memory_space<vmem>> -> memref<1x125xi32, #tpu.memory_space<vmem>>
    %dma_start3A_30 = tpu.memref_squeeze %dma_start3A_29 : memref<1x125xi32, #tpu.memory_space<vmem>> -> memref<125xi32, #tpu.memory_space<vmem>>
    %dma_start3A_31 = arith.constant 0 : i32
    %dma_start3A_32 = arith.constant 0 : i32
    %dma_start3A_33 = tpu.memref_slice %arg13[%dma_start3A_31, %dma_start3A_32] : memref<10000x64xf32, #tpu.memory_space<vmem_shared>> -> memref<10000x64xf32, #tpu.memory_space<vmem_shared>>
    tpu.enqueue_indirect_dma source(%dma_start3A_33 : memref<10000x64xf32, #tpu.memory_space<vmem_shared>>) target(%dma_start3A_27 : memref<125x64xf32, #tpu.memory_space<vmem>>) offsets(%dma_start3A_30 : memref<125xi32, #tpu.memory_space<vmem>>) semaphore(%arg9 : memref<!tpu.dma_semaphore, #tpu.memory_space<semaphore_mem>>)
    %dma_start3A_34 = arith.constant 1 : i32
    %dma_start3A_35 = arith.constant 1 : i32
    %dma_start3A_36 = arith.constant 0 : i32
    %dma_start3A_37 = arith.constant 0 : i32
    %dma_start3A_38 = tpu.memref_slice %arg8[%dma_start3A_35, %dma_start3A_36, %dma_start3A_37] : memref<2x125x64xf32, #tpu.memory_space<vmem>> -> memref<1x125x64xf32, #tpu.memory_space<vmem>>
    %dma_start3A_39 = tpu.memref_squeeze %dma_start3A_38 : memref<1x125x64xf32, #tpu.memory_space<vmem>> -> memref<125x64xf32, #tpu.memory_space<vmem>>
    %dma_start3A_40 = arith.constant 0 : i32
    %dma_start3A_41 = tpu.memref_slice %arg6[%dma_start3A_34, %dma_start3A_40] : memref<80x125xi32, #tpu.memory_space<vmem>> -> memref<1x125xi32, #tpu.memory_space<vmem>>
    %dma_start3A_42 = tpu.memref_squeeze %dma_start3A_41 : memref<1x125xi32, #tpu.memory_space<vmem>> -> memref<125xi32, #tpu.memory_space<vmem>>
    %dma_start3A_43 = arith.constant 0 : i32
    %dma_start3A_44 = arith.constant 0 : i32
    %dma_start3A_45 = tpu.memref_slice %arg13[%dma_start3A_43, %dma_start3A_44] : memref<10000x64xf32, #tpu.memory_space<vmem_shared>> -> memref<10000x64xf32, #tpu.memory_space<vmem_shared>>
    tpu.enqueue_indirect_dma source(%dma_start3A_45 : memref<10000x64xf32, #tpu.memory_space<vmem_shared>>) target(%dma_start3A_39 : memref<125x64xf32, #tpu.memory_space<vmem>>) offsets(%dma_start3A_42 : memref<125xi32, #tpu.memory_space<vmem>>) semaphore(%arg10 : memref<!tpu.dma_semaphore, #tpu.memory_space<semaphore_mem>>)
    %scan3A_46 = arith.constant 0 : i32
    %scan3A_47 = arith.constant 39 : i32
    %scan3A_48 = arith.addi %scan3A_46, %scan3A_47 : i32
    %scan3A_49 = arith.constant 1 : i32
    scf.for %scan3A_248 = %scan3A_46 to %scan3A_48 step %scan3A_49  : i32 {
      %mul3A_249 = arith.constant 2 : i32
      %mul3A_250 = arith.muli %scan3A_248, %mul3A_249 : i32
      %add3A_251 = arith.constant 0 : i32
      %add3A_252 = arith.addi %add3A_251, %mul3A_250 : i32
      %add3A_253 = arith.constant 0 : i32
      %add3A_254 = arith.addi %add3A_252, %add3A_253 : i32
      %dma_wait3A_255 = arith.constant 0 : i32
      %dma_wait3A_256 = arith.constant 0 : i32
      %dma_wait3A_257 = arith.constant 0 : i32
      %dma_wait3A_258 = tpu.memref_slice %arg8[%dma_wait3A_255, %dma_wait3A_256, %dma_wait3A_257] : memref<2x125x64xf32, #tpu.memory_space<vmem>> -> memref<1x125x64xf32, #tpu.memory_space<vmem>>
      %dma_wait3A_259 = tpu.memref_squeeze %dma_wait3A_258 : memref<1x125x64xf32, #tpu.memory_space<vmem>> -> memref<125x64xf32, #tpu.memory_space<vmem>>
      %dma_wait3A_260 = arith.constant 0 : i32
      %dma_wait3A_261 = tpu.memref_slice %arg6[%add3A_254, %dma_wait3A_260] : memref<80x125xi32, #tpu.memory_space<vmem>> -> memref<1x125xi32, #tpu.memory_space<vmem>>
      %dma_wait3A_262 = tpu.memref_squeeze %dma_wait3A_261 : memref<1x125xi32, #tpu.memory_space<vmem>> -> memref<125xi32, #tpu.memory_space<vmem>>
      %dma_wait3A_263 = arith.constant 0 : i32
      %dma_wait3A_264 = arith.constant 0 : i32
      %dma_wait3A_265 = tpu.memref_slice %arg13[%dma_wait3A_263, %dma_wait3A_264] : memref<10000x64xf32, #tpu.memory_space<vmem_shared>> -> memref<10000x64xf32, #tpu.memory_space<vmem_shared>>
      tpu.wait_indirect_dma semaphore(%arg9 : memref<!tpu.dma_semaphore, #tpu.memory_space<semaphore_mem>>) src(%dma_wait3A_265 : memref<10000x64xf32, #tpu.memory_space<vmem_shared>>) dst(%dma_wait3A_259 : memref<125x64xf32, #tpu.memory_space<vmem>>)
      %dma_start3A_266 = arith.constant 0 : i32
      %dma_start3A_267 = arith.constant 0 : i32
      %dma_start3A_268 = arith.constant 0 : i32
      %dma_start3A_269 = tpu.memref_slice %arg8[%dma_start3A_266, %dma_start3A_267, %dma_start3A_268] : memref<2x125x64xf32, #tpu.memory_space<vmem>> -> memref<1x125x64xf32, #tpu.memory_space<vmem>>
      %dma_start3A_270 = tpu.memref_squeeze %dma_start3A_269 : memref<1x125x64xf32, #tpu.memory_space<vmem>> -> memref<125x64xf32, #tpu.memory_space<vmem>>
      %dma_start3A_271 = arith.constant 0 : i32
      %dma_start3A_272 = tpu.memref_slice %arg7[%add3A_254, %dma_start3A_271] : memref<80x125xi32, #tpu.memory_space<vmem>> -> memref<1x125xi32, #tpu.memory_space<vmem>>
      %dma_start3A_273 = tpu.memref_squeeze %dma_start3A_272 : memref<1x125xi32, #tpu.memory_space<vmem>> -> memref<125xi32, #tpu.memory_space<vmem>>
      %dma_start3A_274 = arith.constant 0 : i32
      %dma_start3A_275 = arith.constant 0 : i32
      %dma_start3A_276 = tpu.memref_slice %arg14[%dma_start3A_274, %dma_start3A_275] : memref<10000x64xf32, #tpu.memory_space<vmem_shared>> -> memref<10000x64xf32, #tpu.memory_space<vmem_shared>>
      tpu.enqueue_indirect_dma source(%dma_start3A_270 : memref<125x64xf32, #tpu.memory_space<vmem>>) target(%dma_start3A_276 : memref<10000x64xf32, #tpu.memory_space<vmem_shared>>) offsets(%dma_start3A_273 : memref<125xi32, #tpu.memory_space<vmem>>) semaphore(%arg11 : memref<!tpu.dma_semaphore, #tpu.memory_space<semaphore_mem>>) {add = true}
      %dma_wait3A_277 = arith.constant 0 : i32
      %dma_wait3A_278 = arith.constant 0 : i32
      %dma_wait3A_279 = arith.constant 0 : i32
      %dma_wait3A_280 = tpu.memref_slice %arg8[%dma_wait3A_277, %dma_wait3A_278, %dma_wait3A_279] : memref<2x125x64xf32, #tpu.memory_space<vmem>> -> memref<1x125x64xf32, #tpu.memory_space<vmem>>
      %dma_wait3A_281 = tpu.memref_squeeze %dma_wait3A_280 : memref<1x125x64xf32, #tpu.memory_space<vmem>> -> memref<125x64xf32, #tpu.memory_space<vmem>>
      %dma_wait3A_282 = arith.constant 0 : i32
      %dma_wait3A_283 = tpu.memref_slice %arg7[%add3A_254, %dma_wait3A_282] : memref<80x125xi32, #tpu.memory_space<vmem>> -> memref<1x125xi32, #tpu.memory_space<vmem>>
      %dma_wait3A_284 = tpu.memref_squeeze %dma_wait3A_283 : memref<1x125xi32, #tpu.memory_space<vmem>> -> memref<125xi32, #tpu.memory_space<vmem>>
      %dma_wait3A_285 = arith.constant 0 : i32
      %dma_wait3A_286 = arith.constant 0 : i32
      %dma_wait3A_287 = tpu.memref_slice %arg14[%dma_wait3A_285, %dma_wait3A_286] : memref<10000x64xf32, #tpu.memory_space<vmem_shared>> -> memref<10000x64xf32, #tpu.memory_space<vmem_shared>>
      tpu.wait_indirect_dma semaphore(%arg11 : memref<!tpu.dma_semaphore, #tpu.memory_space<semaphore_mem>>) src(%dma_wait3A_281 : memref<125x64xf32, #tpu.memory_space<vmem>>) dst(%dma_wait3A_287 : memref<10000x64xf32, #tpu.memory_space<vmem_shared>>)
      %add3A_288 = arith.constant 2 : i32
      %add3A_289 = arith.addi %add3A_254, %add3A_288 : i32
      %dma_start3A_290 = arith.constant 0 : i32
      %dma_start3A_291 = arith.constant 0 : i32
      %dma_start3A_292 = arith.constant 0 : i32
      %dma_start3A_293 = tpu.memref_slice %arg8[%dma_start3A_290, %dma_start3A_291, %dma_start3A_292] : memref<2x125x64xf32, #tpu.memory_space<vmem>> -> memref<1x125x64xf32, #tpu.memory_space<vmem>>
      %dma_start3A_294 = tpu.memref_squeeze %dma_start3A_293 : memref<1x125x64xf32, #tpu.memory_space<vmem>> -> memref<125x64xf32, #tpu.memory_space<vmem>>
      %dma_start3A_295 = arith.constant 0 : i32
      %dma_start3A_296 = tpu.memref_slice %arg6[%add3A_289, %dma_start3A_295] : memref<80x125xi32, #tpu.memory_space<vmem>> -> memref<1x125xi32, #tpu.memory_space<vmem>>
      %dma_start3A_297 = tpu.memref_squeeze %dma_start3A_296 : memref<1x125xi32, #tpu.memory_space<vmem>> -> memref<125xi32, #tpu.memory_space<vmem>>
      %dma_start3A_298 = arith.constant 0 : i32
      %dma_start3A_299 = arith.constant 0 : i32
      %dma_start3A_300 = tpu.memref_slice %arg13[%dma_start3A_298, %dma_start3A_299] : memref<10000x64xf32, #tpu.memory_space<vmem_shared>> -> memref<10000x64xf32, #tpu.memory_space<vmem_shared>>
      tpu.enqueue_indirect_dma source(%dma_start3A_300 : memref<10000x64xf32, #tpu.memory_space<vmem_shared>>) target(%dma_start3A_294 : memref<125x64xf32, #tpu.memory_space<vmem>>) offsets(%dma_start3A_297 : memref<125xi32, #tpu.memory_space<vmem>>) semaphore(%arg9 : memref<!tpu.dma_semaphore, #tpu.memory_space<semaphore_mem>>)
      %add3A_301 = arith.constant 1 : i32
      %add3A_302 = arith.addi %add3A_252, %add3A_301 : i32
      %dma_wait3A_303 = arith.constant 1 : i32
      %dma_wait3A_304 = arith.constant 0 : i32
      %dma_wait3A_305 = arith.constant 0 : i32
      %dma_wait3A_306 = tpu.memref_slice %arg8[%dma_wait3A_303, %dma_wait3A_304, %dma_wait3A_305] : memref<2x125x64xf32, #tpu.memory_space<vmem>> -> memref<1x125x64xf32, #tpu.memory_space<vmem>>
      %dma_wait3A_307 = tpu.memref_squeeze %dma_wait3A_306 : memref<1x125x64xf32, #tpu.memory_space<vmem>> -> memref<125x64xf32, #tpu.memory_space<vmem>>
      %dma_wait3A_308 = arith.constant 0 : i32
      %dma_wait3A_309 = tpu.memref_slice %arg6[%add3A_302, %dma_wait3A_308] : memref<80x125xi32, #tpu.memory_space<vmem>> -> memref<1x125xi32, #tpu.memory_space<vmem>>
      %dma_wait3A_310 = tpu.memref_squeeze %dma_wait3A_309 : memref<1x125xi32, #tpu.memory_space<vmem>> -> memref<125xi32, #tpu.memory_space<vmem>>
      %dma_wait3A_311 = arith.constant 0 : i32
      %dma_wait3A_312 = arith.constant 0 : i32
      %dma_wait3A_313 = tpu.memref_slice %arg13[%dma_wait3A_311, %dma_wait3A_312] : memref<10000x64xf32, #tpu.memory_space<vmem_shared>> -> memref<10000x64xf32, #tpu.memory_space<vmem_shared>>
      tpu.wait_indirect_dma semaphore(%arg10 : memref<!tpu.dma_semaphore, #tpu.memory_space<semaphore_mem>>) src(%dma_wait3A_313 : memref<10000x64xf32, #tpu.memory_space<vmem_shared>>) dst(%dma_wait3A_307 : memref<125x64xf32, #tpu.memory_space<vmem>>)
      %dma_start3A_314 = arith.constant 1 : i32
      %dma_start3A_315 = arith.constant 0 : i32
      %dma_start3A_316 = arith.constant 0 : i32
      %dma_start3A_317 = tpu.memref_slice %arg8[%dma_start3A_314, %dma_start3A_315, %dma_start3A_316] : memref<2x125x64xf32, #tpu.memory_space<vmem>> -> memref<1x125x64xf32, #tpu.memory_space<vmem>>
      %dma_start3A_318 = tpu.memref_squeeze %dma_start3A_317 : memref<1x125x64xf32, #tpu.memory_space<vmem>> -> memref<125x64xf32, #tpu.memory_space<vmem>>
      %dma_start3A_319 = arith.constant 0 : i32
      %dma_start3A_320 = tpu.memref_slice %arg7[%add3A_302, %dma_start3A_319] : memref<80x125xi32, #tpu.memory_space<vmem>> -> memref<1x125xi32, #tpu.memory_space<vmem>>
      %dma_start3A_321 = tpu.memref_squeeze %dma_start3A_320 : memref<1x125xi32, #tpu.memory_space<vmem>> -> memref<125xi32, #tpu.memory_space<vmem>>
      %dma_start3A_322 = arith.constant 0 : i32
      %dma_start3A_323 = arith.constant 0 : i32
      %dma_start3A_324 = tpu.memref_slice %arg14[%dma_start3A_322, %dma_start3A_323] : memref<10000x64xf32, #tpu.memory_space<vmem_shared>> -> memref<10000x64xf32, #tpu.memory_space<vmem_shared>>
      tpu.enqueue_indirect_dma source(%dma_start3A_318 : memref<125x64xf32, #tpu.memory_space<vmem>>) target(%dma_start3A_324 : memref<10000x64xf32, #tpu.memory_space<vmem_shared>>) offsets(%dma_start3A_321 : memref<125xi32, #tpu.memory_space<vmem>>) semaphore(%arg12 : memref<!tpu.dma_semaphore, #tpu.memory_space<semaphore_mem>>) {add = true}
      %dma_wait3A_325 = arith.constant 1 : i32
      %dma_wait3A_326 = arith.constant 0 : i32
      %dma_wait3A_327 = arith.constant 0 : i32
      %dma_wait3A_328 = tpu.memref_slice %arg8[%dma_wait3A_325, %dma_wait3A_326, %dma_wait3A_327] : memref<2x125x64xf32, #tpu.memory_space<vmem>> -> memref<1x125x64xf32, #tpu.memory_space<vmem>>
      %dma_wait3A_329 = tpu.memref_squeeze %dma_wait3A_328 : memref<1x125x64xf32, #tpu.memory_space<vmem>> -> memref<125x64xf32, #tpu.memory_space<vmem>>
      %dma_wait3A_330 = arith.constant 0 : i32
      %dma_wait3A_331 = tpu.memref_slice %arg7[%add3A_302, %dma_wait3A_330] : memref<80x125xi32, #tpu.memory_space<vmem>> -> memref<1x125xi32, #tpu.memory_space<vmem>>
      %dma_wait3A_332 = tpu.memref_squeeze %dma_wait3A_331 : memref<1x125xi32, #tpu.memory_space<vmem>> -> memref<125xi32, #tpu.memory_space<vmem>>
      %dma_wait3A_333 = arith.constant 0 : i32
      %dma_wait3A_334 = arith.constant 0 : i32
      %dma_wait3A_335 = tpu.memref_slice %arg14[%dma_wait3A_333, %dma_wait3A_334] : memref<10000x64xf32, #tpu.memory_space<vmem_shared>> -> memref<10000x64xf32, #tpu.memory_space<vmem_shared>>
      tpu.wait_indirect_dma semaphore(%arg12 : memref<!tpu.dma_semaphore, #tpu.memory_space<semaphore_mem>>) src(%dma_wait3A_329 : memref<125x64xf32, #tpu.memory_space<vmem>>) dst(%dma_wait3A_335 : memref<10000x64xf32, #tpu.memory_space<vmem_shared>>)
      %add3A_336 = arith.constant 2 : i32
      %add3A_337 = arith.addi %add3A_302, %add3A_336 : i32
      %dma_start3A_338 = arith.constant 1 : i32
      %dma_start3A_339 = arith.constant 0 : i32
      %dma_start3A_340 = arith.constant 0 : i32
      %dma_start3A_341 = tpu.memref_slice %arg8[%dma_start3A_338, %dma_start3A_339, %dma_start3A_340] : memref<2x125x64xf32, #tpu.memory_space<vmem>> -> memref<1x125x64xf32, #tpu.memory_space<vmem>>
      %dma_start3A_342 = tpu.memref_squeeze %dma_start3A_341 : memref<1x125x64xf32, #tpu.memory_space<vmem>> -> memref<125x64xf32, #tpu.memory_space<vmem>>
      %dma_start3A_343 = arith.constant 0 : i32
      %dma_start3A_344 = tpu.memref_slice %arg6[%add3A_337, %dma_start3A_343] : memref<80x125xi32, #tpu.memory_space<vmem>> -> memref<1x125xi32, #tpu.memory_space<vmem>>
      %dma_start3A_345 = tpu.memref_squeeze %dma_start3A_344 : memref<1x125xi32, #tpu.memory_space<vmem>> -> memref<125xi32, #tpu.memory_space<vmem>>
      %dma_start3A_346 = arith.constant 0 : i32
      %dma_start3A_347 = arith.constant 0 : i32
      %dma_start3A_348 = tpu.memref_slice %arg13[%dma_start3A_346, %dma_start3A_347] : memref<10000x64xf32, #tpu.memory_space<vmem_shared>> -> memref<10000x64xf32, #tpu.memory_space<vmem_shared>>
      tpu.enqueue_indirect_dma source(%dma_start3A_348 : memref<10000x64xf32, #tpu.memory_space<vmem_shared>>) target(%dma_start3A_342 : memref<125x64xf32, #tpu.memory_space<vmem>>) offsets(%dma_start3A_345 : memref<125xi32, #tpu.memory_space<vmem>>) semaphore(%arg10 : memref<!tpu.dma_semaphore, #tpu.memory_space<semaphore_mem>>)
    }
    %scan3A_50 = arith.constant 39 : i32
    %dma_wait3A = arith.constant 78 : i32
    %dma_wait3A_51 = arith.constant 0 : i32
    %dma_wait3A_52 = arith.constant 0 : i32
    %dma_wait3A_53 = arith.constant 0 : i32
    %dma_wait3A_54 = tpu.memref_slice %arg8[%dma_wait3A_51, %dma_wait3A_52, %dma_wait3A_53] : memref<2x125x64xf32, #tpu.memory_space<vmem>> -> memref<1x125x64xf32, #tpu.memory_space<vmem>>
    %dma_wait3A_55 = tpu.memref_squeeze %dma_wait3A_54 : memref<1x125x64xf32, #tpu.memory_space<vmem>> -> memref<125x64xf32, #tpu.memory_space<vmem>>
    %dma_wait3A_56 = arith.constant 0 : i32
    %dma_wait3A_57 = tpu.memref_slice %arg6[%dma_wait3A, %dma_wait3A_56] : memref<80x125xi32, #tpu.memory_space<vmem>> -> memref<1x125xi32, #tpu.memory_space<vmem>>
    %dma_wait3A_58 = tpu.memref_squeeze %dma_wait3A_57 : memref<1x125xi32, #tpu.memory_space<vmem>> -> memref<125xi32, #tpu.memory_space<vmem>>
    %dma_wait3A_59 = arith.constant 0 : i32
    %dma_wait3A_60 = arith.constant 0 : i32
    %dma_wait3A_61 = tpu.memref_slice %arg13[%dma_wait3A_59, %dma_wait3A_60] : memref<10000x64xf32, #tpu.memory_space<vmem_shared>> -> memref<10000x64xf32, #tpu.memory_space<vmem_shared>>
    tpu.wait_indirect_dma semaphore(%arg9 : memref<!tpu.dma_semaphore, #tpu.memory_space<semaphore_mem>>) src(%dma_wait3A_61 : memref<10000x64xf32, #tpu.memory_space<vmem_shared>>) dst(%dma_wait3A_55 : memref<125x64xf32, #tpu.memory_space<vmem>>)
    %dma_start3A_62 = arith.constant 0 : i32
    %dma_start3A_63 = arith.constant 78 : i32
    %dma_start3A_64 = arith.constant 0 : i32
    %dma_start3A_65 = arith.constant 0 : i32
    %dma_start3A_66 = tpu.memref_slice %arg8[%dma_start3A_62, %dma_start3A_64, %dma_start3A_65] : memref<2x125x64xf32, #tpu.memory_space<vmem>> -> memref<1x125x64xf32, #tpu.memory_space<vmem>>
    %dma_start3A_67 = tpu.memref_squeeze %dma_start3A_66 : memref<1x125x64xf32, #tpu.memory_space<vmem>> -> memref<125x64xf32, #tpu.memory_space<vmem>>
    %dma_start3A_68 = arith.constant 0 : i32
    %dma_start3A_69 = tpu.memref_slice %arg7[%dma_start3A_63, %dma_start3A_68] : memref<80x125xi32, #tpu.memory_space<vmem>> -> memref<1x125xi32, #tpu.memory_space<vmem>>
    %dma_start3A_70 = tpu.memref_squeeze %dma_start3A_69 : memref<1x125xi32, #tpu.memory_space<vmem>> -> memref<125xi32, #tpu.memory_space<vmem>>
    %dma_start3A_71 = arith.constant 0 : i32
    %dma_start3A_72 = arith.constant 0 : i32
    %dma_start3A_73 = tpu.memref_slice %arg14[%dma_start3A_71, %dma_start3A_72] : memref<10000x64xf32, #tpu.memory_space<vmem_shared>> -> memref<10000x64xf32, #tpu.memory_space<vmem_shared>>
    tpu.enqueue_indirect_dma source(%dma_start3A_67 : memref<125x64xf32, #tpu.memory_space<vmem>>) target(%dma_start3A_73 : memref<10000x64xf32, #tpu.memory_space<vmem_shared>>) offsets(%dma_start3A_70 : memref<125xi32, #tpu.memory_space<vmem>>) semaphore(%arg11 : memref<!tpu.dma_semaphore, #tpu.memory_space<semaphore_mem>>) {add = true}
    %dma_wait3A_74 = arith.constant 79 : i32
    %dma_wait3A_75 = arith.constant 1 : i32
    %dma_wait3A_76 = arith.constant 0 : i32
    %dma_wait3A_77 = arith.constant 0 : i32
    %dma_wait3A_78 = tpu.memref_slice %arg8[%dma_wait3A_75, %dma_wait3A_76, %dma_wait3A_77] : memref<2x125x64xf32, #tpu.memory_space<vmem>> -> memref<1x125x64xf32, #tpu.memory_space<vmem>>
    %dma_wait3A_79 = tpu.memref_squeeze %dma_wait3A_78 : memref<1x125x64xf32, #tpu.memory_space<vmem>> -> memref<125x64xf32, #tpu.memory_space<vmem>>
    %dma_wait3A_80 = arith.constant 0 : i32
    %dma_wait3A_81 = tpu.memref_slice %arg6[%dma_wait3A_74, %dma_wait3A_80] : memref<80x125xi32, #tpu.memory_space<vmem>> -> memref<1x125xi32, #tpu.memory_space<vmem>>
    %dma_wait3A_82 = tpu.memref_squeeze %dma_wait3A_81 : memref<1x125xi32, #tpu.memory_space<vmem>> -> memref<125xi32, #tpu.memory_space<vmem>>
    %dma_wait3A_83 = arith.constant 0 : i32
    %dma_wait3A_84 = arith.constant 0 : i32
    %dma_wait3A_85 = tpu.memref_slice %arg13[%dma_wait3A_83, %dma_wait3A_84] : memref<10000x64xf32, #tpu.memory_space<vmem_shared>> -> memref<10000x64xf32, #tpu.memory_space<vmem_shared>>
    tpu.wait_indirect_dma semaphore(%arg10 : memref<!tpu.dma_semaphore, #tpu.memory_space<semaphore_mem>>) src(%dma_wait3A_85 : memref<10000x64xf32, #tpu.memory_space<vmem_shared>>) dst(%dma_wait3A_79 : memref<125x64xf32, #tpu.memory_space<vmem>>)
    %dma_start3A_86 = arith.constant 1 : i32
    %dma_start3A_87 = arith.constant 79 : i32
    %dma_start3A_88 = arith.constant 0 : i32
    %dma_start3A_89 = arith.constant 0 : i32
    %dma_start3A_90 = tpu.memref_slice %arg8[%dma_start3A_86, %dma_start3A_88, %dma_start3A_89] : memref<2x125x64xf32, #tpu.memory_space<vmem>> -> memref<1x125x64xf32, #tpu.memory_space<vmem>>
    %dma_start3A_91 = tpu.memref_squeeze %dma_start3A_90 : memref<1x125x64xf32, #tpu.memory_space<vmem>> -> memref<125x64xf32, #tpu.memory_space<vmem>>
    %dma_start3A_92 = arith.constant 0 : i32
    %dma_start3A_93 = tpu.memref_slice %arg7[%dma_start3A_87, %dma_start3A_92] : memref<80x125xi32, #tpu.memory_space<vmem>> -> memref<1x125xi32, #tpu.memory_space<vmem>>
    %dma_start3A_94 = tpu.memref_squeeze %dma_start3A_93 : memref<1x125xi32, #tpu.memory_space<vmem>> -> memref<125xi32, #tpu.memory_space<vmem>>
    %dma_start3A_95 = arith.constant 0 : i32
    %dma_start3A_96 = arith.constant 0 : i32
    %dma_start3A_97 = tpu.memref_slice %arg14[%dma_start3A_95, %dma_start3A_96] : memref<10000x64xf32, #tpu.memory_space<vmem_shared>> -> memref<10000x64xf32, #tpu.memory_space<vmem_shared>>
    tpu.enqueue_indirect_dma source(%dma_start3A_91 : memref<125x64xf32, #tpu.memory_space<vmem>>) target(%dma_start3A_97 : memref<10000x64xf32, #tpu.memory_space<vmem_shared>>) offsets(%dma_start3A_94 : memref<125xi32, #tpu.memory_space<vmem>>) semaphore(%arg12 : memref<!tpu.dma_semaphore, #tpu.memory_space<semaphore_mem>>) {add = true}
    %dma_wait3A_98 = arith.constant 0 : i32
    %dma_wait3A_99 = arith.constant 78 : i32
    %dma_wait3A_100 = arith.constant 0 : i32
    %dma_wait3A_101 = arith.constant 0 : i32
    %dma_wait3A_102 = tpu.memref_slice %arg8[%dma_wait3A_98, %dma_wait3A_100, %dma_wait3A_101] : memref<2x125x64xf32, #tpu.memory_space<vmem>> -> memref<1x125x64xf32, #tpu.memory_space<vmem>>
    %dma_wait3A_103 = tpu.memref_squeeze %dma_wait3A_102 : memref<1x125x64xf32, #tpu.memory_space<vmem>> -> memref<125x64xf32, #tpu.memory_space<vmem>>
    %dma_wait3A_104 = arith.constant 0 : i32
    %dma_wait3A_105 = tpu.memref_slice %arg7[%dma_wait3A_99, %dma_wait3A_104] : memref<80x125xi32, #tpu.memory_space<vmem>> -> memref<1x125xi32, #tpu.memory_space<vmem>>
    %dma_wait3A_106 = tpu.memref_squeeze %dma_wait3A_105 : memref<1x125xi32, #tpu.memory_space<vmem>> -> memref<125xi32, #tpu.memory_space<vmem>>
    %dma_wait3A_107 = arith.constant 0 : i32
    %dma_wait3A_108 = arith.constant 0 : i32
    %dma_wait3A_109 = tpu.memref_slice %arg14[%dma_wait3A_107, %dma_wait3A_108] : memref<10000x64xf32, #tpu.memory_space<vmem_shared>> -> memref<10000x64xf32, #tpu.memory_space<vmem_shared>>
    tpu.wait_indirect_dma semaphore(%arg11 : memref<!tpu.dma_semaphore, #tpu.memory_space<semaphore_mem>>) src(%dma_wait3A_103 : memref<125x64xf32, #tpu.memory_space<vmem>>) dst(%dma_wait3A_109 : memref<10000x64xf32, #tpu.memory_space<vmem_shared>>)
    %dma_wait3A_110 = arith.constant 1 : i32
    %dma_wait3A_111 = arith.constant 79 : i32
    %dma_wait3A_112 = arith.constant 0 : i32
    %dma_wait3A_113 = arith.constant 0 : i32
    %dma_wait3A_114 = tpu.memref_slice %arg8[%dma_wait3A_110, %dma_wait3A_112, %dma_wait3A_113] : memref<2x125x64xf32, #tpu.memory_space<vmem>> -> memref<1x125x64xf32, #tpu.memory_space<vmem>>
    %dma_wait3A_115 = tpu.memref_squeeze %dma_wait3A_114 : memref<1x125x64xf32, #tpu.memory_space<vmem>> -> memref<125x64xf32, #tpu.memory_space<vmem>>
    %dma_wait3A_116 = arith.constant 0 : i32
    %dma_wait3A_117 = tpu.memref_slice %arg7[%dma_wait3A_111, %dma_wait3A_116] : memref<80x125xi32, #tpu.memory_space<vmem>> -> memref<1x125xi32, #tpu.memory_space<vmem>>
    %dma_wait3A_118 = tpu.memref_squeeze %dma_wait3A_117 : memref<1x125xi32, #tpu.memory_space<vmem>> -> memref<125xi32, #tpu.memory_space<vmem>>
    %dma_wait3A_119 = arith.constant 0 : i32
    %dma_wait3A_120 = arith.constant 0 : i32
    %dma_wait3A_121 = tpu.memref_slice %arg14[%dma_wait3A_119, %dma_wait3A_120] : memref<10000x64xf32, #tpu.memory_space<vmem_shared>> -> memref<10000x64xf32, #tpu.memory_space<vmem_shared>>
    tpu.wait_indirect_dma semaphore(%arg12 : memref<!tpu.dma_semaphore, #tpu.memory_space<semaphore_mem>>) src(%dma_wait3A_115 : memref<125x64xf32, #tpu.memory_space<vmem>>) dst(%dma_wait3A_121 : memref<10000x64xf32, #tpu.memory_space<vmem_shared>>)
    %barrier3A_122 = arith.constant 0 : index
    tpu.barrier barrier_id(%barrier3A_122)
    "tpu.region"() ({
      %run_scoped3A_248 = tpu.sem_alloc : memref<!tpu.dma_semaphore, #tpu.memory_space<semaphore_mem>>
      %dma_start3A_249 = arith.constant 0 : i32
      %dma_start3A_250 = tpu.memref_slice %arg5[%arg0, %mul3A_2, %dma_start3A_249] : memref<2x10000x128xf32, #tpu.memory_space<hbm>> -> memref<1x625x64xf32, #tpu.memory_space<hbm>>
      %dma_start3A_251 = tpu.memref_squeeze %dma_start3A_250 : memref<1x625x64xf32, #tpu.memory_space<hbm>> -> memref<625x64xf32, #tpu.memory_space<hbm>>
      %dma_start3A_252 = arith.constant 0 : i32
      %dma_start3A_253 = tpu.memref_slice %arg14[%mul3A_2, %dma_start3A_252] : memref<10000x64xf32, #tpu.memory_space<vmem_shared>> -> memref<625x64xf32, #tpu.memory_space<vmem_shared>>
      tpu.enqueue_dma source(%dma_start3A_253 : memref<625x64xf32, #tpu.memory_space<vmem_shared>>) target(%dma_start3A_251 : memref<625x64xf32, #tpu.memory_space<hbm>>) target_semaphore(%run_scoped3A_248 : memref<!tpu.dma_semaphore, #tpu.memory_space<semaphore_mem>>)
      %dma_wait3A_254 = arith.constant 0 : i32
      %dma_wait3A_255 = tpu.memref_slice %arg5[%arg0, %mul3A_2, %dma_wait3A_254] : memref<2x10000x128xf32, #tpu.memory_space<hbm>> -> memref<1x625x64xf32, #tpu.memory_space<hbm>>
      %dma_wait3A_256 = tpu.memref_squeeze %dma_wait3A_255 : memref<1x625x64xf32, #tpu.memory_space<hbm>> -> memref<625x64xf32, #tpu.memory_space<hbm>>
      %dma_wait3A_257 = arith.constant 0 : i32
      %dma_wait3A_258 = tpu.memref_slice %arg14[%mul3A_2, %dma_wait3A_257] : memref<10000x64xf32, #tpu.memory_space<vmem_shared>> -> memref<625x64xf32, #tpu.memory_space<vmem_shared>>
      tpu.wait_dma2 semaphore(%run_scoped3A_248 : memref<!tpu.dma_semaphore, #tpu.memory_space<semaphore_mem>>) src(%dma_wait3A_258 : memref<625x64xf32, #tpu.memory_space<vmem_shared>>) dst(%dma_wait3A_256 : memref<625x64xf32, #tpu.memory_space<hbm>>)
      tpu.yield
    }) : () -> ()
    %barrier3A_123 = arith.constant 0 : index
    tpu.barrier barrier_id(%barrier3A_123)
    %scan3A_124 = arith.constant 0 : i32
    %scan3A_125 = arith.constant 125 : i32
    %scan3A_126 = arith.addi %scan3A_124, %scan3A_125 : i32
    %scan3A_127 = arith.constant 1 : i32
    scf.for %scan3A_248 = %scan3A_124 to %scan3A_126 step %scan3A_127  : i32 {
      %mul3A_249 = arith.constant 1 : i32
      %mul3A_250 = arith.muli %scan3A_248, %mul3A_249 : i32
      %add3A_251 = arith.constant 0 : i32
      %add3A_252 = arith.addi %add3A_251, %mul3A_250 : i32
      %broadcast_in_dim3A = arith.constant 0.000000e+00 : f32
      %broadcast_in_dim3A_253 = vector.broadcast %broadcast_in_dim3A : f32 to vector<16xf32>
      %swap3A = arith.constant 0 : i32
      %swap3A_254 = arith.index_cast %swap3A : i32 to index
      %swap3A_255 = arith.index_cast %add3A_252 : i32 to index
      %swap3A_256 = arith.constant 0 : index
      %swap3A_257 = tpu.vector_load %arg8[%swap3A_254, %swap3A_255, %swap3A_256] {strides = array<i32>} : memref<2x125x64xf32, #tpu.memory_space<vmem>>, vector<1x1x16xf32>,
      %swap3A_258 = vector.shape_cast %swap3A_257 : vector<1x1x16xf32> to vector<16xf32>
      %swap3A_259 = vector.shape_cast %broadcast_in_dim3A_253 : vector<16xf32> to vector<1x1x16xf32>
      tpu.vector_store %arg8[%swap3A_254, %swap3A_255, %swap3A_256], %swap3A_259 {strides = array<i32>} : memref<2x125x64xf32, #tpu.memory_space<vmem>>, vector<1x1x16xf32>,
      %broadcast_in_dim3A_260 = arith.constant 0.000000e+00 : f32
      %broadcast_in_dim3A_261 = vector.broadcast %broadcast_in_dim3A_260 : f32 to vector<16xf32>
      %swap3A_262 = arith.constant 0 : i32
      %swap3A_263 = arith.index_cast %swap3A_262 : i32 to index
      %swap3A_264 = arith.index_cast %add3A_252 : i32 to index
      %swap3A_265 = arith.constant 16 : index
      %swap3A_266 = tpu.vector_load %arg8[%swap3A_263, %swap3A_264, %swap3A_265] {strides = array<i32>} : memref<2x125x64xf32, #tpu.memory_space<vmem>>, vector<1x1x16xf32>,
      %swap3A_267 = vector.shape_cast %swap3A_266 : vector<1x1x16xf32> to vector<16xf32>
      %swap3A_268 = vector.shape_cast %broadcast_in_dim3A_261 : vector<16xf32> to vector<1x1x16xf32>
      tpu.vector_store %arg8[%swap3A_263, %swap3A_264, %swap3A_265], %swap3A_268 {strides = array<i32>} : memref<2x125x64xf32, #tpu.memory_space<vmem>>, vector<1x1x16xf32>,
      %broadcast_in_dim3A_269 = arith.constant 0.000000e+00 : f32
      %broadcast_in_dim3A_270 = vector.broadcast %broadcast_in_dim3A_269 : f32 to vector<16xf32>
      %swap3A_271 = arith.constant 0 : i32
      %swap3A_272 = arith.index_cast %swap3A_271 : i32 to index
      %swap3A_273 = arith.index_cast %add3A_252 : i32 to index
      %swap3A_274 = arith.constant 32 : index
      %swap3A_275 = tpu.vector_load %arg8[%swap3A_272, %swap3A_273, %swap3A_274] {strides = array<i32>} : memref<2x125x64xf32, #tpu.memory_space<vmem>>, vector<1x1x16xf32>,
      %swap3A_276 = vector.shape_cast %swap3A_275 : vector<1x1x16xf32> to vector<16xf32>
      %swap3A_277 = vector.shape_cast %broadcast_in_dim3A_270 : vector<16xf32> to vector<1x1x16xf32>
      tpu.vector_store %arg8[%swap3A_272, %swap3A_273, %swap3A_274], %swap3A_277 {strides = array<i32>} : memref<2x125x64xf32, #tpu.memory_space<vmem>>, vector<1x1x16xf32>,
      %broadcast_in_dim3A_278 = arith.constant 0.000000e+00 : f32
      %broadcast_in_dim3A_279 = vector.broadcast %broadcast_in_dim3A_278 : f32 to vector<16xf32>
      %swap3A_280 = arith.constant 0 : i32
      %swap3A_281 = arith.index_cast %swap3A_280 : i32 to index
      %swap3A_282 = arith.index_cast %add3A_252 : i32 to index
      %swap3A_283 = arith.constant 48 : index
      %swap3A_284 = tpu.vector_load %arg8[%swap3A_281, %swap3A_282, %swap3A_283] {strides = array<i32>} : memref<2x125x64xf32, #tpu.memory_space<vmem>>, vector<1x1x16xf32>,
      %swap3A_285 = vector.shape_cast %swap3A_284 : vector<1x1x16xf32> to vector<16xf32>
      %swap3A_286 = vector.shape_cast %broadcast_in_dim3A_279 : vector<16xf32> to vector<1x1x16xf32>
      tpu.vector_store %arg8[%swap3A_281, %swap3A_282, %swap3A_283], %swap3A_286 {strides = array<i32>} : memref<2x125x64xf32, #tpu.memory_space<vmem>>, vector<1x1x16xf32>,
    }
    %scan3A_128 = arith.constant 125 : i32
    %add3A_129 = arith.constant 0 : i32
    %add3A_130 = arith.addi %mul3A_2, %add3A_129 : i32
    %run_scoped3A_131 = arith.constant 0 : i32
    "tpu.region"() ({
      %run_scoped3A_248 = tpu.sem_alloc : memref<!tpu.dma_semaphore, #tpu.memory_space<semaphore_mem>>
      %dma_start3A_249 = arith.constant 0 : i32
      %dma_start3A_250 = arith.constant 0 : i32
      %dma_start3A_251 = tpu.memref_slice %arg8[%run_scoped3A_131, %dma_start3A_249, %dma_start3A_250] : memref<2x125x64xf32, #tpu.memory_space<vmem>> -> memref<1x125x64xf32, #tpu.memory_space<vmem>>
      %dma_start3A_252 = tpu.memref_squeeze %dma_start3A_251 : memref<1x125x64xf32, #tpu.memory_space<vmem>> -> memref<125x64xf32, #tpu.memory_space<vmem>>
      %dma_start3A_253 = arith.constant 0 : i32
      %dma_start3A_254 = tpu.memref_slice %arg14[%add3A_130, %dma_start3A_253] : memref<10000x64xf32, #tpu.memory_space<vmem_shared>> -> memref<125x64xf32, #tpu.memory_space<vmem_shared>>
      %dma_start3A_255 = arith.constant 0 : i32
      %dma_start3A_256 = tpu.memref_slice %arg14[%add3A_130, %dma_start3A_255] : memref<10000x64xf32, #tpu.memory_space<vmem_shared>> -> memref<125x64xf32, #tpu.memory_space<vmem_shared>>
      %dma_start3A_257 = arith.constant 0 : i32
      %dma_start3A_258 = arith.constant 0 : i32
      %dma_start3A_259 = tpu.memref_slice %arg8[%run_scoped3A_131, %dma_start3A_257, %dma_start3A_258] : memref<2x125x64xf32, #tpu.memory_space<vmem>> -> memref<1x125x64xf32, #tpu.memory_space<vmem>>
      %dma_start3A_260 = tpu.memref_squeeze %dma_start3A_259 : memref<1x125x64xf32, #tpu.memory_space<vmem>> -> memref<125x64xf32, #tpu.memory_space<vmem>>
      tpu.enqueue_dma source(%dma_start3A_260 : memref<125x64xf32, #tpu.memory_space<vmem>>) target(%dma_start3A_256 : memref<125x64xf32, #tpu.memory_space<vmem_shared>>) target_semaphore(%run_scoped3A_248 : memref<!tpu.dma_semaphore, #tpu.memory_space<semaphore_mem>>)
      %dma_wait3A_261 = arith.constant 0 : i32
      %dma_wait3A_262 = arith.constant 0 : i32
      %dma_wait3A_263 = tpu.memref_slice %arg8[%run_scoped3A_131, %dma_wait3A_261, %dma_wait3A_262] : memref<2x125x64xf32, #tpu.memory_space<vmem>> -> memref<1x125x64xf32, #tpu.memory_space<vmem>>
      %dma_wait3A_264 = tpu.memref_squeeze %dma_wait3A_263 : memref<1x125x64xf32, #tpu.memory_space<vmem>> -> memref<125x64xf32, #tpu.memory_space<vmem>>
      %dma_wait3A_265 = arith.constant 0 : i32
      %dma_wait3A_266 = tpu.memref_slice %arg14[%add3A_130, %dma_wait3A_265] : memref<10000x64xf32, #tpu.memory_space<vmem_shared>> -> memref<125x64xf32, #tpu.memory_space<vmem_shared>>
      %dma_wait3A_267 = arith.constant 0 : i32
      %dma_wait3A_268 = tpu.memref_slice %arg14[%add3A_130, %dma_wait3A_267] : memref<10000x64xf32, #tpu.memory_space<vmem_shared>> -> memref<125x64xf32, #tpu.memory_space<vmem_shared>>
      %dma_wait3A_269 = arith.constant 0 : i32
      %dma_wait3A_270 = arith.constant 0 : i32
      %dma_wait3A_271 = tpu.memref_slice %arg8[%run_scoped3A_131, %dma_wait3A_269, %dma_wait3A_270] : memref<2x125x64xf32, #tpu.memory_space<vmem>> -> memref<1x125x64xf32, #tpu.memory_space<vmem>>
      %dma_wait3A_272 = tpu.memref_squeeze %dma_wait3A_271 : memref<1x125x64xf32, #tpu.memory_space<vmem>> -> memref<125x64xf32, #tpu.memory_space<vmem>>
      tpu.wait_dma2 semaphore(%run_scoped3A_248 : memref<!tpu.dma_semaphore, #tpu.memory_space<semaphore_mem>>) src(%dma_wait3A_272 : memref<125x64xf32, #tpu.memory_space<vmem>>) dst(%dma_wait3A_268 : memref<125x64xf32, #tpu.memory_space<vmem_shared>>)
      tpu.yield
    }) : () -> ()
    %add3A_132 = arith.constant 125 : i32
    %add3A_133 = arith.addi %mul3A_2, %add3A_132 : i32
    %run_scoped3A_134 = arith.constant 0 : i32
    "tpu.region"() ({
      %run_scoped3A_248 = tpu.sem_alloc : memref<!tpu.dma_semaphore, #tpu.memory_space<semaphore_mem>>
      %dma_start3A_249 = arith.constant 0 : i32
      %dma_start3A_250 = arith.constant 0 : i32
      %dma_start3A_251 = tpu.memref_slice %arg8[%run_scoped3A_134, %dma_start3A_249, %dma_start3A_250] : memref<2x125x64xf32, #tpu.memory_space<vmem>> -> memref<1x125x64xf32, #tpu.memory_space<vmem>>
      %dma_start3A_252 = tpu.memref_squeeze %dma_start3A_251 : memref<1x125x64xf32, #tpu.memory_space<vmem>> -> memref<125x64xf32, #tpu.memory_space<vmem>>
      %dma_start3A_253 = arith.constant 0 : i32
      %dma_start3A_254 = tpu.memref_slice %arg14[%add3A_133, %dma_start3A_253] : memref<10000x64xf32, #tpu.memory_space<vmem_shared>> -> memref<125x64xf32, #tpu.memory_space<vmem_shared>>
      %dma_start3A_255 = arith.constant 0 : i32
      %dma_start3A_256 = tpu.memref_slice %arg14[%add3A_133, %dma_start3A_255] : memref<10000x64xf32, #tpu.memory_space<vmem_shared>> -> memref<125x64xf32, #tpu.memory_space<vmem_shared>>
      %dma_start3A_257 = arith.constant 0 : i32
      %dma_start3A_258 = arith.constant 0 : i32
      %dma_start3A_259 = tpu.memref_slice %arg8[%run_scoped3A_134, %dma_start3A_257, %dma_start3A_258] : memref<2x125x64xf32, #tpu.memory_space<vmem>> -> memref<1x125x64xf32, #tpu.memory_space<vmem>>
      %dma_start3A_260 = tpu.memref_squeeze %dma_start3A_259 : memref<1x125x64xf32, #tpu.memory_space<vmem>> -> memref<125x64xf32, #tpu.memory_space<vmem>>
      tpu.enqueue_dma source(%dma_start3A_260 : memref<125x64xf32, #tpu.memory_space<vmem>>) target(%dma_start3A_256 : memref<125x64xf32, #tpu.memory_space<vmem_shared>>) target_semaphore(%run_scoped3A_248 : memref<!tpu.dma_semaphore, #tpu.memory_space<semaphore_mem>>)
      %dma_wait3A_261 = arith.constant 0 : i32
      %dma_wait3A_262 = arith.constant 0 : i32
      %dma_wait3A_263 = tpu.memref_slice %arg8[%run_scoped3A_134, %dma_wait3A_261, %dma_wait3A_262] : memref<2x125x64xf32, #tpu.memory_space<vmem>> -> memref<1x125x64xf32, #tpu.memory_space<vmem>>
      %dma_wait3A_264 = tpu.memref_squeeze %dma_wait3A_263 : memref<1x125x64xf32, #tpu.memory_space<vmem>> -> memref<125x64xf32, #tpu.memory_space<vmem>>
      %dma_wait3A_265 = arith.constant 0 : i32
      %dma_wait3A_266 = tpu.memref_slice %arg14[%add3A_133, %dma_wait3A_265] : memref<10000x64xf32, #tpu.memory_space<vmem_shared>> -> memref<125x64xf32, #tpu.memory_space<vmem_shared>>
      %dma_wait3A_267 = arith.constant 0 : i32
      %dma_wait3A_268 = tpu.memref_slice %arg14[%add3A_133, %dma_wait3A_267] : memref<10000x64xf32, #tpu.memory_space<vmem_shared>> -> memref<125x64xf32, #tpu.memory_space<vmem_shared>>
      %dma_wait3A_269 = arith.constant 0 : i32
      %dma_wait3A_270 = arith.constant 0 : i32
      %dma_wait3A_271 = tpu.memref_slice %arg8[%run_scoped3A_134, %dma_wait3A_269, %dma_wait3A_270] : memref<2x125x64xf32, #tpu.memory_space<vmem>> -> memref<1x125x64xf32, #tpu.memory_space<vmem>>
      %dma_wait3A_272 = tpu.memref_squeeze %dma_wait3A_271 : memref<1x125x64xf32, #tpu.memory_space<vmem>> -> memref<125x64xf32, #tpu.memory_space<vmem>>
      tpu.wait_dma2 semaphore(%run_scoped3A_248 : memref<!tpu.dma_semaphore, #tpu.memory_space<semaphore_mem>>) src(%dma_wait3A_272 : memref<125x64xf32, #tpu.memory_space<vmem>>) dst(%dma_wait3A_268 : memref<125x64xf32, #tpu.memory_space<vmem_shared>>)
      tpu.yield
    }) : () -> ()
    %add3A_135 = arith.constant 250 : i32
    %add3A_136 = arith.addi %mul3A_2, %add3A_135 : i32
    %run_scoped3A_137 = arith.constant 0 : i32
    "tpu.region"() ({
      %run_scoped3A_248 = tpu.sem_alloc : memref<!tpu.dma_semaphore, #tpu.memory_space<semaphore_mem>>
      %dma_start3A_249 = arith.constant 0 : i32
      %dma_start3A_250 = arith.constant 0 : i32
      %dma_start3A_251 = tpu.memref_slice %arg8[%run_scoped3A_137, %dma_start3A_249, %dma_start3A_250] : memref<2x125x64xf32, #tpu.memory_space<vmem>> -> memref<1x125x64xf32, #tpu.memory_space<vmem>>
      %dma_start3A_252 = tpu.memref_squeeze %dma_start3A_251 : memref<1x125x64xf32, #tpu.memory_space<vmem>> -> memref<125x64xf32, #tpu.memory_space<vmem>>
      %dma_start3A_253 = arith.constant 0 : i32
      %dma_start3A_254 = tpu.memref_slice %arg14[%add3A_136, %dma_start3A_253] : memref<10000x64xf32, #tpu.memory_space<vmem_shared>> -> memref<125x64xf32, #tpu.memory_space<vmem_shared>>
      %dma_start3A_255 = arith.constant 0 : i32
      %dma_start3A_256 = tpu.memref_slice %arg14[%add3A_136, %dma_start3A_255] : memref<10000x64xf32, #tpu.memory_space<vmem_shared>> -> memref<125x64xf32, #tpu.memory_space<vmem_shared>>
      %dma_start3A_257 = arith.constant 0 : i32
      %dma_start3A_258 = arith.constant 0 : i32
      %dma_start3A_259 = tpu.memref_slice %arg8[%run_scoped3A_137, %dma_start3A_257, %dma_start3A_258] : memref<2x125x64xf32, #tpu.memory_space<vmem>> -> memref<1x125x64xf32, #tpu.memory_space<vmem>>
      %dma_start3A_260 = tpu.memref_squeeze %dma_start3A_259 : memref<1x125x64xf32, #tpu.memory_space<vmem>> -> memref<125x64xf32, #tpu.memory_space<vmem>>
      tpu.enqueue_dma source(%dma_start3A_260 : memref<125x64xf32, #tpu.memory_space<vmem>>) target(%dma_start3A_256 : memref<125x64xf32, #tpu.memory_space<vmem_shared>>) target_semaphore(%run_scoped3A_248 : memref<!tpu.dma_semaphore, #tpu.memory_space<semaphore_mem>>)
      %dma_wait3A_261 = arith.constant 0 : i32
      %dma_wait3A_262 = arith.constant 0 : i32
      %dma_wait3A_263 = tpu.memref_slice %arg8[%run_scoped3A_137, %dma_wait3A_261, %dma_wait3A_262] : memref<2x125x64xf32, #tpu.memory_space<vmem>> -> memref<1x125x64xf32, #tpu.memory_space<vmem>>
      %dma_wait3A_264 = tpu.memref_squeeze %dma_wait3A_263 : memref<1x125x64xf32, #tpu.memory_space<vmem>> -> memref<125x64xf32, #tpu.memory_space<vmem>>
      %dma_wait3A_265 = arith.constant 0 : i32
      %dma_wait3A_266 = tpu.memref_slice %arg14[%add3A_136, %dma_wait3A_265] : memref<10000x64xf32, #tpu.memory_space<vmem_shared>> -> memref<125x64xf32, #tpu.memory_space<vmem_shared>>
      %dma_wait3A_267 = arith.constant 0 : i32
      %dma_wait3A_268 = tpu.memref_slice %arg14[%add3A_136, %dma_wait3A_267] : memref<10000x64xf32, #tpu.memory_space<vmem_shared>> -> memref<125x64xf32, #tpu.memory_space<vmem_shared>>
      %dma_wait3A_269 = arith.constant 0 : i32
      %dma_wait3A_270 = arith.constant 0 : i32
      %dma_wait3A_271 = tpu.memref_slice %arg8[%run_scoped3A_137, %dma_wait3A_269, %dma_wait3A_270] : memref<2x125x64xf32, #tpu.memory_space<vmem>> -> memref<1x125x64xf32, #tpu.memory_space<vmem>>
      %dma_wait3A_272 = tpu.memref_squeeze %dma_wait3A_271 : memref<1x125x64xf32, #tpu.memory_space<vmem>> -> memref<125x64xf32, #tpu.memory_space<vmem>>
      tpu.wait_dma2 semaphore(%run_scoped3A_248 : memref<!tpu.dma_semaphore, #tpu.memory_space<semaphore_mem>>) src(%dma_wait3A_272 : memref<125x64xf32, #tpu.memory_space<vmem>>) dst(%dma_wait3A_268 : memref<125x64xf32, #tpu.memory_space<vmem_shared>>)
      tpu.yield
    }) : () -> ()
    %add3A_138 = arith.constant 375 : i32
    %add3A_139 = arith.addi %mul3A_2, %add3A_138 : i32
    %run_scoped3A_140 = arith.constant 0 : i32
    "tpu.region"() ({
      %run_scoped3A_248 = tpu.sem_alloc : memref<!tpu.dma_semaphore, #tpu.memory_space<semaphore_mem>>
      %dma_start3A_249 = arith.constant 0 : i32
      %dma_start3A_250 = arith.constant 0 : i32
      %dma_start3A_251 = tpu.memref_slice %arg8[%run_scoped3A_140, %dma_start3A_249, %dma_start3A_250] : memref<2x125x64xf32, #tpu.memory_space<vmem>> -> memref<1x125x64xf32, #tpu.memory_space<vmem>>
      %dma_start3A_252 = tpu.memref_squeeze %dma_start3A_251 : memref<1x125x64xf32, #tpu.memory_space<vmem>> -> memref<125x64xf32, #tpu.memory_space<vmem>>
      %dma_start3A_253 = arith.constant 0 : i32
      %dma_start3A_254 = tpu.memref_slice %arg14[%add3A_139, %dma_start3A_253] : memref<10000x64xf32, #tpu.memory_space<vmem_shared>> -> memref<125x64xf32, #tpu.memory_space<vmem_shared>>
      %dma_start3A_255 = arith.constant 0 : i32
      %dma_start3A_256 = tpu.memref_slice %arg14[%add3A_139, %dma_start3A_255] : memref<10000x64xf32, #tpu.memory_space<vmem_shared>> -> memref<125x64xf32, #tpu.memory_space<vmem_shared>>
      %dma_start3A_257 = arith.constant 0 : i32
      %dma_start3A_258 = arith.constant 0 : i32
      %dma_start3A_259 = tpu.memref_slice %arg8[%run_scoped3A_140, %dma_start3A_257, %dma_start3A_258] : memref<2x125x64xf32, #tpu.memory_space<vmem>> -> memref<1x125x64xf32, #tpu.memory_space<vmem>>
      %dma_start3A_260 = tpu.memref_squeeze %dma_start3A_259 : memref<1x125x64xf32, #tpu.memory_space<vmem>> -> memref<125x64xf32, #tpu.memory_space<vmem>>
      tpu.enqueue_dma source(%dma_start3A_260 : memref<125x64xf32, #tpu.memory_space<vmem>>) target(%dma_start3A_256 : memref<125x64xf32, #tpu.memory_space<vmem_shared>>) target_semaphore(%run_scoped3A_248 : memref<!tpu.dma_semaphore, #tpu.memory_space<semaphore_mem>>)
      %dma_wait3A_261 = arith.constant 0 : i32
      %dma_wait3A_262 = arith.constant 0 : i32
      %dma_wait3A_263 = tpu.memref_slice %arg8[%run_scoped3A_140, %dma_wait3A_261, %dma_wait3A_262] : memref<2x125x64xf32, #tpu.memory_space<vmem>> -> memref<1x125x64xf32, #tpu.memory_space<vmem>>
      %dma_wait3A_264 = tpu.memref_squeeze %dma_wait3A_263 : memref<1x125x64xf32, #tpu.memory_space<vmem>> -> memref<125x64xf32, #tpu.memory_space<vmem>>
      %dma_wait3A_265 = arith.constant 0 : i32
      %dma_wait3A_266 = tpu.memref_slice %arg14[%add3A_139, %dma_wait3A_265] : memref<10000x64xf32, #tpu.memory_space<vmem_shared>> -> memref<125x64xf32, #tpu.memory_space<vmem_shared>>
      %dma_wait3A_267 = arith.constant 0 : i32
      %dma_wait3A_268 = tpu.memref_slice %arg14[%add3A_139, %dma_wait3A_267] : memref<10000x64xf32, #tpu.memory_space<vmem_shared>> -> memref<125x64xf32, #tpu.memory_space<vmem_shared>>
      %dma_wait3A_269 = arith.constant 0 : i32
      %dma_wait3A_270 = arith.constant 0 : i32
      %dma_wait3A_271 = tpu.memref_slice %arg8[%run_scoped3A_140, %dma_wait3A_269, %dma_wait3A_270] : memref<2x125x64xf32, #tpu.memory_space<vmem>> -> memref<1x125x64xf32, #tpu.memory_space<vmem>>
      %dma_wait3A_272 = tpu.memref_squeeze %dma_wait3A_271 : memref<1x125x64xf32, #tpu.memory_space<vmem>> -> memref<125x64xf32, #tpu.memory_space<vmem>>
      tpu.wait_dma2 semaphore(%run_scoped3A_248 : memref<!tpu.dma_semaphore, #tpu.memory_space<semaphore_mem>>) src(%dma_wait3A_272 : memref<125x64xf32, #tpu.memory_space<vmem>>) dst(%dma_wait3A_268 : memref<125x64xf32, #tpu.memory_space<vmem_shared>>)
      tpu.yield
    }) : () -> ()
    %add3A_141 = arith.constant 500 : i32
    %add3A_142 = arith.addi %mul3A_2, %add3A_141 : i32
    %run_scoped3A_143 = arith.constant 0 : i32
    "tpu.region"() ({
      %run_scoped3A_248 = tpu.sem_alloc : memref<!tpu.dma_semaphore, #tpu.memory_space<semaphore_mem>>
      %dma_start3A_249 = arith.constant 0 : i32
      %dma_start3A_250 = arith.constant 0 : i32
      %dma_start3A_251 = tpu.memref_slice %arg8[%run_scoped3A_143, %dma_start3A_249, %dma_start3A_250] : memref<2x125x64xf32, #tpu.memory_space<vmem>> -> memref<1x125x64xf32, #tpu.memory_space<vmem>>
      %dma_start3A_252 = tpu.memref_squeeze %dma_start3A_251 : memref<1x125x64xf32, #tpu.memory_space<vmem>> -> memref<125x64xf32, #tpu.memory_space<vmem>>
      %dma_start3A_253 = arith.constant 0 : i32
      %dma_start3A_254 = tpu.memref_slice %arg14[%add3A_142, %dma_start3A_253] : memref<10000x64xf32, #tpu.memory_space<vmem_shared>> -> memref<125x64xf32, #tpu.memory_space<vmem_shared>>
      %dma_start3A_255 = arith.constant 0 : i32
      %dma_start3A_256 = tpu.memref_slice %arg14[%add3A_142, %dma_start3A_255] : memref<10000x64xf32, #tpu.memory_space<vmem_shared>> -> memref<125x64xf32, #tpu.memory_space<vmem_shared>>
      %dma_start3A_257 = arith.constant 0 : i32
      %dma_start3A_258 = arith.constant 0 : i32
      %dma_start3A_259 = tpu.memref_slice %arg8[%run_scoped3A_143, %dma_start3A_257, %dma_start3A_258] : memref<2x125x64xf32, #tpu.memory_space<vmem>> -> memref<1x125x64xf32, #tpu.memory_space<vmem>>
      %dma_start3A_260 = tpu.memref_squeeze %dma_start3A_259 : memref<1x125x64xf32, #tpu.memory_space<vmem>> -> memref<125x64xf32, #tpu.memory_space<vmem>>
      tpu.enqueue_dma source(%dma_start3A_260 : memref<125x64xf32, #tpu.memory_space<vmem>>) target(%dma_start3A_256 : memref<125x64xf32, #tpu.memory_space<vmem_shared>>) target_semaphore(%run_scoped3A_248 : memref<!tpu.dma_semaphore, #tpu.memory_space<semaphore_mem>>)
      %dma_wait3A_261 = arith.constant 0 : i32
      %dma_wait3A_262 = arith.constant 0 : i32
      %dma_wait3A_263 = tpu.memref_slice %arg8[%run_scoped3A_143, %dma_wait3A_261, %dma_wait3A_262] : memref<2x125x64xf32, #tpu.memory_space<vmem>> -> memref<1x125x64xf32, #tpu.memory_space<vmem>>
      %dma_wait3A_264 = tpu.memref_squeeze %dma_wait3A_263 : memref<1x125x64xf32, #tpu.memory_space<vmem>> -> memref<125x64xf32, #tpu.memory_space<vmem>>
      %dma_wait3A_265 = arith.constant 0 : i32
      %dma_wait3A_266 = tpu.memref_slice %arg14[%add3A_142, %dma_wait3A_265] : memref<10000x64xf32, #tpu.memory_space<vmem_shared>> -> memref<125x64xf32, #tpu.memory_space<vmem_shared>>
      %dma_wait3A_267 = arith.constant 0 : i32
      %dma_wait3A_268 = tpu.memref_slice %arg14[%add3A_142, %dma_wait3A_267] : memref<10000x64xf32, #tpu.memory_space<vmem_shared>> -> memref<125x64xf32, #tpu.memory_space<vmem_shared>>
      %dma_wait3A_269 = arith.constant 0 : i32
      %dma_wait3A_270 = arith.constant 0 : i32
      %dma_wait3A_271 = tpu.memref_slice %arg8[%run_scoped3A_143, %dma_wait3A_269, %dma_wait3A_270] : memref<2x125x64xf32, #tpu.memory_space<vmem>> -> memref<1x125x64xf32, #tpu.memory_space<vmem>>
      %dma_wait3A_272 = tpu.memref_squeeze %dma_wait3A_271 : memref<1x125x64xf32, #tpu.memory_space<vmem>> -> memref<125x64xf32, #tpu.memory_space<vmem>>
      tpu.wait_dma2 semaphore(%run_scoped3A_248 : memref<!tpu.dma_semaphore, #tpu.memory_space<semaphore_mem>>) src(%dma_wait3A_272 : memref<125x64xf32, #tpu.memory_space<vmem>>) dst(%dma_wait3A_268 : memref<125x64xf32, #tpu.memory_space<vmem_shared>>)
      tpu.yield
    }) : () -> ()
    "tpu.region"() ({
      %run_scoped3A_248 = tpu.sem_alloc : memref<!tpu.dma_semaphore, #tpu.memory_space<semaphore_mem>>
      %dma_start3A_249 = arith.constant 0 : i32
      %dma_start3A_250 = tpu.memref_slice %arg13[%mul3A_4, %dma_start3A_249] : memref<10000x64xf32, #tpu.memory_space<vmem_shared>> -> memref<625x64xf32, #tpu.memory_space<vmem_shared>>
      %dma_start3A_251 = arith.constant 64 : i32
      %dma_start3A_252 = tpu.memref_slice %arg2[%mul3A_4, %dma_start3A_251] : memref<10000x128xf32, #tpu.memory_space<hbm>> -> memref<625x64xf32, #tpu.memory_space<hbm>>
      tpu.enqueue_dma source(%dma_start3A_252 : memref<625x64xf32, #tpu.memory_space<hbm>>) target(%dma_start3A_250 : memref<625x64xf32, #tpu.memory_space<vmem_shared>>) target_semaphore(%run_scoped3A_248 : memref<!tpu.dma_semaphore, #tpu.memory_space<semaphore_mem>>)
      %dma_wait3A_253 = arith.constant 0 : i32
      %dma_wait3A_254 = tpu.memref_slice %arg13[%mul3A_4, %dma_wait3A_253] : memref<10000x64xf32, #tpu.memory_space<vmem_shared>> -> memref<625x64xf32, #tpu.memory_space<vmem_shared>>
      %dma_wait3A_255 = arith.constant 64 : i32
      %dma_wait3A_256 = tpu.memref_slice %arg2[%mul3A_4, %dma_wait3A_255] : memref<10000x128xf32, #tpu.memory_space<hbm>> -> memref<625x64xf32, #tpu.memory_space<hbm>>
      tpu.wait_dma2 semaphore(%run_scoped3A_248 : memref<!tpu.dma_semaphore, #tpu.memory_space<semaphore_mem>>) src(%dma_wait3A_256 : memref<625x64xf32, #tpu.memory_space<hbm>>) dst(%dma_wait3A_254 : memref<625x64xf32, #tpu.memory_space<vmem_shared>>)
      tpu.yield
    }) : () -> ()
    %barrier3A_144 = arith.constant 0 : index
    tpu.barrier barrier_id(%barrier3A_144)
    %dma_start3A_145 = arith.constant 0 : i32
    %dma_start3A_146 = arith.constant 0 : i32
    %dma_start3A_147 = arith.constant 0 : i32
    %dma_start3A_148 = arith.constant 0 : i32
    %dma_start3A_149 = tpu.memref_slice %arg8[%dma_start3A_146, %dma_start3A_147, %dma_start3A_148] : memref<2x125x64xf32, #tpu.memory_space<vmem>> -> memref<1x125x64xf32, #tpu.memory_space<vmem>>
    %dma_start3A_150 = tpu.memref_squeeze %dma_start3A_149 : memref<1x125x64xf32, #tpu.memory_space<vmem>> -> memref<125x64xf32, #tpu.memory_space<vmem>>
    %dma_start3A_151 = arith.constant 0 : i32
    %dma_start3A_152 = tpu.memref_slice %arg6[%dma_start3A_145, %dma_start3A_151] : memref<80x125xi32, #tpu.memory_space<vmem>> -> memref<1x125xi32, #tpu.memory_space<vmem>>
    %dma_start3A_153 = tpu.memref_squeeze %dma_start3A_152 : memref<1x125xi32, #tpu.memory_space<vmem>> -> memref<125xi32, #tpu.memory_space<vmem>>
    %dma_start3A_154 = arith.constant 0 : i32
    %dma_start3A_155 = arith.constant 0 : i32
    %dma_start3A_156 = tpu.memref_slice %arg13[%dma_start3A_154, %dma_start3A_155] : memref<10000x64xf32, #tpu.memory_space<vmem_shared>> -> memref<10000x64xf32, #tpu.memory_space<vmem_shared>>
    tpu.enqueue_indirect_dma source(%dma_start3A_156 : memref<10000x64xf32, #tpu.memory_space<vmem_shared>>) target(%dma_start3A_150 : memref<125x64xf32, #tpu.memory_space<vmem>>) offsets(%dma_start3A_153 : memref<125xi32, #tpu.memory_space<vmem>>) semaphore(%arg9 : memref<!tpu.dma_semaphore, #tpu.memory_space<semaphore_mem>>)
    %dma_start3A_157 = arith.constant 1 : i32
    %dma_start3A_158 = arith.constant 1 : i32
    %dma_start3A_159 = arith.constant 0 : i32
    %dma_start3A_160 = arith.constant 0 : i32
    %dma_start3A_161 = tpu.memref_slice %arg8[%dma_start3A_158, %dma_start3A_159, %dma_start3A_160] : memref<2x125x64xf32, #tpu.memory_space<vmem>> -> memref<1x125x64xf32, #tpu.memory_space<vmem>>
    %dma_start3A_162 = tpu.memref_squeeze %dma_start3A_161 : memref<1x125x64xf32, #tpu.memory_space<vmem>> -> memref<125x64xf32, #tpu.memory_space<vmem>>
    %dma_start3A_163 = arith.constant 0 : i32
    %dma_start3A_164 = tpu.memref_slice %arg6[%dma_start3A_157, %dma_start3A_163] : memref<80x125xi32, #tpu.memory_space<vmem>> -> memref<1x125xi32, #tpu.memory_space<vmem>>
    %dma_start3A_165 = tpu.memref_squeeze %dma_start3A_164 : memref<1x125xi32, #tpu.memory_space<vmem>> -> memref<125xi32, #tpu.memory_space<vmem>>
    %dma_start3A_166 = arith.constant 0 : i32
    %dma_start3A_167 = arith.constant 0 : i32
    %dma_start3A_168 = tpu.memref_slice %arg13[%dma_start3A_166, %dma_start3A_167] : memref<10000x64xf32, #tpu.memory_space<vmem_shared>> -> memref<10000x64xf32, #tpu.memory_space<vmem_shared>>
    tpu.enqueue_indirect_dma source(%dma_start3A_168 : memref<10000x64xf32, #tpu.memory_space<vmem_shared>>) target(%dma_start3A_162 : memref<125x64xf32, #tpu.memory_space<vmem>>) offsets(%dma_start3A_165 : memref<125xi32, #tpu.memory_space<vmem>>) semaphore(%arg10 : memref<!tpu.dma_semaphore, #tpu.memory_space<semaphore_mem>>)
    %scan3A_169 = arith.constant 0 : i32
    %scan3A_170 = arith.constant 39 : i32
    %scan3A_171 = arith.addi %scan3A_169, %scan3A_170 : i32
    %scan3A_172 = arith.constant 1 : i32
    scf.for %scan3A_248 = %scan3A_169 to %scan3A_171 step %scan3A_172  : i32 {
      %mul3A_249 = arith.constant 2 : i32
      %mul3A_250 = arith.muli %scan3A_248, %mul3A_249 : i32
      %add3A_251 = arith.constant 0 : i32
      %add3A_252 = arith.addi %add3A_251, %mul3A_250 : i32
      %add3A_253 = arith.constant 0 : i32
      %add3A_254 = arith.addi %add3A_252, %add3A_253 : i32
      %dma_wait3A_255 = arith.constant 0 : i32
      %dma_wait3A_256 = arith.constant 0 : i32
      %dma_wait3A_257 = arith.constant 0 : i32
      %dma_wait3A_258 = tpu.memref_slice %arg8[%dma_wait3A_255, %dma_wait3A_256, %dma_wait3A_257] : memref<2x125x64xf32, #tpu.memory_space<vmem>> -> memref<1x125x64xf32, #tpu.memory_space<vmem>>
      %dma_wait3A_259 = tpu.memref_squeeze %dma_wait3A_258 : memref<1x125x64xf32, #tpu.memory_space<vmem>> -> memref<125x64xf32, #tpu.memory_space<vmem>>
      %dma_wait3A_260 = arith.constant 0 : i32
      %dma_wait3A_261 = tpu.memref_slice %arg6[%add3A_254, %dma_wait3A_260] : memref<80x125xi32, #tpu.memory_space<vmem>> -> memref<1x125xi32, #tpu.memory_space<vmem>>
      %dma_wait3A_262 = tpu.memref_squeeze %dma_wait3A_261 : memref<1x125xi32, #tpu.memory_space<vmem>> -> memref<125xi32, #tpu.memory_space<vmem>>
      %dma_wait3A_263 = arith.constant 0 : i32
      %dma_wait3A_264 = arith.constant 0 : i32
      %dma_wait3A_265 = tpu.memref_slice %arg13[%dma_wait3A_263, %dma_wait3A_264] : memref<10000x64xf32, #tpu.memory_space<vmem_shared>> -> memref<10000x64xf32, #tpu.memory_space<vmem_shared>>
      tpu.wait_indirect_dma semaphore(%arg9 : memref<!tpu.dma_semaphore, #tpu.memory_space<semaphore_mem>>) src(%dma_wait3A_265 : memref<10000x64xf32, #tpu.memory_space<vmem_shared>>) dst(%dma_wait3A_259 : memref<125x64xf32, #tpu.memory_space<vmem>>)
      %dma_start3A_266 = arith.constant 0 : i32
      %dma_start3A_267 = arith.constant 0 : i32
      %dma_start3A_268 = arith.constant 0 : i32
      %dma_start3A_269 = tpu.memref_slice %arg8[%dma_start3A_266, %dma_start3A_267, %dma_start3A_268] : memref<2x125x64xf32, #tpu.memory_space<vmem>> -> memref<1x125x64xf32, #tpu.memory_space<vmem>>
      %dma_start3A_270 = tpu.memref_squeeze %dma_start3A_269 : memref<1x125x64xf32, #tpu.memory_space<vmem>> -> memref<125x64xf32, #tpu.memory_space<vmem>>
      %dma_start3A_271 = arith.constant 0 : i32
      %dma_start3A_272 = tpu.memref_slice %arg7[%add3A_254, %dma_start3A_271] : memref<80x125xi32, #tpu.memory_space<vmem>> -> memref<1x125xi32, #tpu.memory_space<vmem>>
      %dma_start3A_273 = tpu.memref_squeeze %dma_start3A_272 : memref<1x125xi32, #tpu.memory_space<vmem>> -> memref<125xi32, #tpu.memory_space<vmem>>
      %dma_start3A_274 = arith.constant 0 : i32
      %dma_start3A_275 = arith.constant 0 : i32
      %dma_start3A_276 = tpu.memref_slice %arg14[%dma_start3A_274, %dma_start3A_275] : memref<10000x64xf32, #tpu.memory_space<vmem_shared>> -> memref<10000x64xf32, #tpu.memory_space<vmem_shared>>
      tpu.enqueue_indirect_dma source(%dma_start3A_270 : memref<125x64xf32, #tpu.memory_space<vmem>>) target(%dma_start3A_276 : memref<10000x64xf32, #tpu.memory_space<vmem_shared>>) offsets(%dma_start3A_273 : memref<125xi32, #tpu.memory_space<vmem>>) semaphore(%arg11 : memref<!tpu.dma_semaphore, #tpu.memory_space<semaphore_mem>>) {add = true}
      %dma_wait3A_277 = arith.constant 0 : i32
      %dma_wait3A_278 = arith.constant 0 : i32
      %dma_wait3A_279 = arith.constant 0 : i32
      %dma_wait3A_280 = tpu.memref_slice %arg8[%dma_wait3A_277, %dma_wait3A_278, %dma_wait3A_279] : memref<2x125x64xf32, #tpu.memory_space<vmem>> -> memref<1x125x64xf32, #tpu.memory_space<vmem>>
      %dma_wait3A_281 = tpu.memref_squeeze %dma_wait3A_280 : memref<1x125x64xf32, #tpu.memory_space<vmem>> -> memref<125x64xf32, #tpu.memory_space<vmem>>
      %dma_wait3A_282 = arith.constant 0 : i32
      %dma_wait3A_283 = tpu.memref_slice %arg7[%add3A_254, %dma_wait3A_282] : memref<80x125xi32, #tpu.memory_space<vmem>> -> memref<1x125xi32, #tpu.memory_space<vmem>>
      %dma_wait3A_284 = tpu.memref_squeeze %dma_wait3A_283 : memref<1x125xi32, #tpu.memory_space<vmem>> -> memref<125xi32, #tpu.memory_space<vmem>>
      %dma_wait3A_285 = arith.constant 0 : i32
      %dma_wait3A_286 = arith.constant 0 : i32
      %dma_wait3A_287 = tpu.memref_slice %arg14[%dma_wait3A_285, %dma_wait3A_286] : memref<10000x64xf32, #tpu.memory_space<vmem_shared>> -> memref<10000x64xf32, #tpu.memory_space<vmem_shared>>
      tpu.wait_indirect_dma semaphore(%arg11 : memref<!tpu.dma_semaphore, #tpu.memory_space<semaphore_mem>>) src(%dma_wait3A_281 : memref<125x64xf32, #tpu.memory_space<vmem>>) dst(%dma_wait3A_287 : memref<10000x64xf32, #tpu.memory_space<vmem_shared>>)
      %add3A_288 = arith.constant 2 : i32
      %add3A_289 = arith.addi %add3A_254, %add3A_288 : i32
      %dma_start3A_290 = arith.constant 0 : i32
      %dma_start3A_291 = arith.constant 0 : i32
      %dma_start3A_292 = arith.constant 0 : i32
      %dma_start3A_293 = tpu.memref_slice %arg8[%dma_start3A_290, %dma_start3A_291, %dma_start3A_292] : memref<2x125x64xf32, #tpu.memory_space<vmem>> -> memref<1x125x64xf32, #tpu.memory_space<vmem>>
      %dma_start3A_294 = tpu.memref_squeeze %dma_start3A_293 : memref<1x125x64xf32, #tpu.memory_space<vmem>> -> memref<125x64xf32, #tpu.memory_space<vmem>>
      %dma_start3A_295 = arith.constant 0 : i32
      %dma_start3A_296 = tpu.memref_slice %arg6[%add3A_289, %dma_start3A_295] : memref<80x125xi32, #tpu.memory_space<vmem>> -> memref<1x125xi32, #tpu.memory_space<vmem>>
      %dma_start3A_297 = tpu.memref_squeeze %dma_start3A_296 : memref<1x125xi32, #tpu.memory_space<vmem>> -> memref<125xi32, #tpu.memory_space<vmem>>
      %dma_start3A_298 = arith.constant 0 : i32
      %dma_start3A_299 = arith.constant 0 : i32
      %dma_start3A_300 = tpu.memref_slice %arg13[%dma_start3A_298, %dma_start3A_299] : memref<10000x64xf32, #tpu.memory_space<vmem_shared>> -> memref<10000x64xf32, #tpu.memory_space<vmem_shared>>
      tpu.enqueue_indirect_dma source(%dma_start3A_300 : memref<10000x64xf32, #tpu.memory_space<vmem_shared>>) target(%dma_start3A_294 : memref<125x64xf32, #tpu.memory_space<vmem>>) offsets(%dma_start3A_297 : memref<125xi32, #tpu.memory_space<vmem>>) semaphore(%arg9 : memref<!tpu.dma_semaphore, #tpu.memory_space<semaphore_mem>>)
      %add3A_301 = arith.constant 1 : i32
      %add3A_302 = arith.addi %add3A_252, %add3A_301 : i32
      %dma_wait3A_303 = arith.constant 1 : i32
      %dma_wait3A_304 = arith.constant 0 : i32
      %dma_wait3A_305 = arith.constant 0 : i32
      %dma_wait3A_306 = tpu.memref_slice %arg8[%dma_wait3A_303, %dma_wait3A_304, %dma_wait3A_305] : memref<2x125x64xf32, #tpu.memory_space<vmem>> -> memref<1x125x64xf32, #tpu.memory_space<vmem>>
      %dma_wait3A_307 = tpu.memref_squeeze %dma_wait3A_306 : memref<1x125x64xf32, #tpu.memory_space<vmem>> -> memref<125x64xf32, #tpu.memory_space<vmem>>
      %dma_wait3A_308 = arith.constant 0 : i32
      %dma_wait3A_309 = tpu.memref_slice %arg6[%add3A_302, %dma_wait3A_308] : memref<80x125xi32, #tpu.memory_space<vmem>> -> memref<1x125xi32, #tpu.memory_space<vmem>>
      %dma_wait3A_310 = tpu.memref_squeeze %dma_wait3A_309 : memref<1x125xi32, #tpu.memory_space<vmem>> -> memref<125xi32, #tpu.memory_space<vmem>>
      %dma_wait3A_311 = arith.constant 0 : i32
      %dma_wait3A_312 = arith.constant 0 : i32
      %dma_wait3A_313 = tpu.memref_slice %arg13[%dma_wait3A_311, %dma_wait3A_312] : memref<10000x64xf32, #tpu.memory_space<vmem_shared>> -> memref<10000x64xf32, #tpu.memory_space<vmem_shared>>
      tpu.wait_indirect_dma semaphore(%arg10 : memref<!tpu.dma_semaphore, #tpu.memory_space<semaphore_mem>>) src(%dma_wait3A_313 : memref<10000x64xf32, #tpu.memory_space<vmem_shared>>) dst(%dma_wait3A_307 : memref<125x64xf32, #tpu.memory_space<vmem>>)
      %dma_start3A_314 = arith.constant 1 : i32
      %dma_start3A_315 = arith.constant 0 : i32
      %dma_start3A_316 = arith.constant 0 : i32
      %dma_start3A_317 = tpu.memref_slice %arg8[%dma_start3A_314, %dma_start3A_315, %dma_start3A_316] : memref<2x125x64xf32, #tpu.memory_space<vmem>> -> memref<1x125x64xf32, #tpu.memory_space<vmem>>
      %dma_start3A_318 = tpu.memref_squeeze %dma_start3A_317 : memref<1x125x64xf32, #tpu.memory_space<vmem>> -> memref<125x64xf32, #tpu.memory_space<vmem>>
      %dma_start3A_319 = arith.constant 0 : i32
      %dma_start3A_320 = tpu.memref_slice %arg7[%add3A_302, %dma_start3A_319] : memref<80x125xi32, #tpu.memory_space<vmem>> -> memref<1x125xi32, #tpu.memory_space<vmem>>
      %dma_start3A_321 = tpu.memref_squeeze %dma_start3A_320 : memref<1x125xi32, #tpu.memory_space<vmem>> -> memref<125xi32, #tpu.memory_space<vmem>>
      %dma_start3A_322 = arith.constant 0 : i32
      %dma_start3A_323 = arith.constant 0 : i32
      %dma_start3A_324 = tpu.memref_slice %arg14[%dma_start3A_322, %dma_start3A_323] : memref<10000x64xf32, #tpu.memory_space<vmem_shared>> -> memref<10000x64xf32, #tpu.memory_space<vmem_shared>>
      tpu.enqueue_indirect_dma source(%dma_start3A_318 : memref<125x64xf32, #tpu.memory_space<vmem>>) target(%dma_start3A_324 : memref<10000x64xf32, #tpu.memory_space<vmem_shared>>) offsets(%dma_start3A_321 : memref<125xi32, #tpu.memory_space<vmem>>) semaphore(%arg12 : memref<!tpu.dma_semaphore, #tpu.memory_space<semaphore_mem>>) {add = true}
      %dma_wait3A_325 = arith.constant 1 : i32
      %dma_wait3A_326 = arith.constant 0 : i32
      %dma_wait3A_327 = arith.constant 0 : i32
      %dma_wait3A_328 = tpu.memref_slice %arg8[%dma_wait3A_325, %dma_wait3A_326, %dma_wait3A_327] : memref<2x125x64xf32, #tpu.memory_space<vmem>> -> memref<1x125x64xf32, #tpu.memory_space<vmem>>
      %dma_wait3A_329 = tpu.memref_squeeze %dma_wait3A_328 : memref<1x125x64xf32, #tpu.memory_space<vmem>> -> memref<125x64xf32, #tpu.memory_space<vmem>>
      %dma_wait3A_330 = arith.constant 0 : i32
      %dma_wait3A_331 = tpu.memref_slice %arg7[%add3A_302, %dma_wait3A_330] : memref<80x125xi32, #tpu.memory_space<vmem>> -> memref<1x125xi32, #tpu.memory_space<vmem>>
      %dma_wait3A_332 = tpu.memref_squeeze %dma_wait3A_331 : memref<1x125xi32, #tpu.memory_space<vmem>> -> memref<125xi32, #tpu.memory_space<vmem>>
      %dma_wait3A_333 = arith.constant 0 : i32
      %dma_wait3A_334 = arith.constant 0 : i32
      %dma_wait3A_335 = tpu.memref_slice %arg14[%dma_wait3A_333, %dma_wait3A_334] : memref<10000x64xf32, #tpu.memory_space<vmem_shared>> -> memref<10000x64xf32, #tpu.memory_space<vmem_shared>>
      tpu.wait_indirect_dma semaphore(%arg12 : memref<!tpu.dma_semaphore, #tpu.memory_space<semaphore_mem>>) src(%dma_wait3A_329 : memref<125x64xf32, #tpu.memory_space<vmem>>) dst(%dma_wait3A_335 : memref<10000x64xf32, #tpu.memory_space<vmem_shared>>)
      %add3A_336 = arith.constant 2 : i32
      %add3A_337 = arith.addi %add3A_302, %add3A_336 : i32
      %dma_start3A_338 = arith.constant 1 : i32
      %dma_start3A_339 = arith.constant 0 : i32
      %dma_start3A_340 = arith.constant 0 : i32
      %dma_start3A_341 = tpu.memref_slice %arg8[%dma_start3A_338, %dma_start3A_339, %dma_start3A_340] : memref<2x125x64xf32, #tpu.memory_space<vmem>> -> memref<1x125x64xf32, #tpu.memory_space<vmem>>
      %dma_start3A_342 = tpu.memref_squeeze %dma_start3A_341 : memref<1x125x64xf32, #tpu.memory_space<vmem>> -> memref<125x64xf32, #tpu.memory_space<vmem>>
      %dma_start3A_343 = arith.constant 0 : i32
      %dma_start3A_344 = tpu.memref_slice %arg6[%add3A_337, %dma_start3A_343] : memref<80x125xi32, #tpu.memory_space<vmem>> -> memref<1x125xi32, #tpu.memory_space<vmem>>
      %dma_start3A_345 = tpu.memref_squeeze %dma_start3A_344 : memref<1x125xi32, #tpu.memory_space<vmem>> -> memref<125xi32, #tpu.memory_space<vmem>>
      %dma_start3A_346 = arith.constant 0 : i32
      %dma_start3A_347 = arith.constant 0 : i32
      %dma_start3A_348 = tpu.memref_slice %arg13[%dma_start3A_346, %dma_start3A_347] : memref<10000x64xf32, #tpu.memory_space<vmem_shared>> -> memref<10000x64xf32, #tpu.memory_space<vmem_shared>>
      tpu.enqueue_indirect_dma source(%dma_start3A_348 : memref<10000x64xf32, #tpu.memory_space<vmem_shared>>) target(%dma_start3A_342 : memref<125x64xf32, #tpu.memory_space<vmem>>) offsets(%dma_start3A_345 : memref<125xi32, #tpu.memory_space<vmem>>) semaphore(%arg10 : memref<!tpu.dma_semaphore, #tpu.memory_space<semaphore_mem>>)
    }
    %scan3A_173 = arith.constant 39 : i32
    %dma_wait3A_174 = arith.constant 78 : i32
    %dma_wait3A_175 = arith.constant 0 : i32
    %dma_wait3A_176 = arith.constant 0 : i32
    %dma_wait3A_177 = arith.constant 0 : i32
    %dma_wait3A_178 = tpu.memref_slice %arg8[%dma_wait3A_175, %dma_wait3A_176, %dma_wait3A_177] : memref<2x125x64xf32, #tpu.memory_space<vmem>> -> memref<1x125x64xf32, #tpu.memory_space<vmem>>
    %dma_wait3A_179 = tpu.memref_squeeze %dma_wait3A_178 : memref<1x125x64xf32, #tpu.memory_space<vmem>> -> memref<125x64xf32, #tpu.memory_space<vmem>>
    %dma_wait3A_180 = arith.constant 0 : i32
    %dma_wait3A_181 = tpu.memref_slice %arg6[%dma_wait3A_174, %dma_wait3A_180] : memref<80x125xi32, #tpu.memory_space<vmem>> -> memref<1x125xi32, #tpu.memory_space<vmem>>
    %dma_wait3A_182 = tpu.memref_squeeze %dma_wait3A_181 : memref<1x125xi32, #tpu.memory_space<vmem>> -> memref<125xi32, #tpu.memory_space<vmem>>
    %dma_wait3A_183 = arith.constant 0 : i32
    %dma_wait3A_184 = arith.constant 0 : i32
    %dma_wait3A_185 = tpu.memref_slice %arg13[%dma_wait3A_183, %dma_wait3A_184] : memref<10000x64xf32, #tpu.memory_space<vmem_shared>> -> memref<10000x64xf32, #tpu.memory_space<vmem_shared>>
    tpu.wait_indirect_dma semaphore(%arg9 : memref<!tpu.dma_semaphore, #tpu.memory_space<semaphore_mem>>) src(%dma_wait3A_185 : memref<10000x64xf32, #tpu.memory_space<vmem_shared>>) dst(%dma_wait3A_179 : memref<125x64xf32, #tpu.memory_space<vmem>>)
    %dma_start3A_186 = arith.constant 0 : i32
    %dma_start3A_187 = arith.constant 78 : i32
    %dma_start3A_188 = arith.constant 0 : i32
    %dma_start3A_189 = arith.constant 0 : i32
    %dma_start3A_190 = tpu.memref_slice %arg8[%dma_start3A_186, %dma_start3A_188, %dma_start3A_189] : memref<2x125x64xf32, #tpu.memory_space<vmem>> -> memref<1x125x64xf32, #tpu.memory_space<vmem>>
    %dma_start3A_191 = tpu.memref_squeeze %dma_start3A_190 : memref<1x125x64xf32, #tpu.memory_space<vmem>> -> memref<125x64xf32, #tpu.memory_space<vmem>>
    %dma_start3A_192 = arith.constant 0 : i32
    %dma_start3A_193 = tpu.memref_slice %arg7[%dma_start3A_187, %dma_start3A_192] : memref<80x125xi32, #tpu.memory_space<vmem>> -> memref<1x125xi32, #tpu.memory_space<vmem>>
    %dma_start3A_194 = tpu.memref_squeeze %dma_start3A_193 : memref<1x125xi32, #tpu.memory_space<vmem>> -> memref<125xi32, #tpu.memory_space<vmem>>
    %dma_start3A_195 = arith.constant 0 : i32
    %dma_start3A_196 = arith.constant 0 : i32
    %dma_start3A_197 = tpu.memref_slice %arg14[%dma_start3A_195, %dma_start3A_196] : memref<10000x64xf32, #tpu.memory_space<vmem_shared>> -> memref<10000x64xf32, #tpu.memory_space<vmem_shared>>
    tpu.enqueue_indirect_dma source(%dma_start3A_191 : memref<125x64xf32, #tpu.memory_space<vmem>>) target(%dma_start3A_197 : memref<10000x64xf32, #tpu.memory_space<vmem_shared>>) offsets(%dma_start3A_194 : memref<125xi32, #tpu.memory_space<vmem>>) semaphore(%arg11 : memref<!tpu.dma_semaphore, #tpu.memory_space<semaphore_mem>>) {add = true}
    %dma_wait3A_198 = arith.constant 79 : i32
    %dma_wait3A_199 = arith.constant 1 : i32
    %dma_wait3A_200 = arith.constant 0 : i32
    %dma_wait3A_201 = arith.constant 0 : i32
    %dma_wait3A_202 = tpu.memref_slice %arg8[%dma_wait3A_199, %dma_wait3A_200, %dma_wait3A_201] : memref<2x125x64xf32, #tpu.memory_space<vmem>> -> memref<1x125x64xf32, #tpu.memory_space<vmem>>
    %dma_wait3A_203 = tpu.memref_squeeze %dma_wait3A_202 : memref<1x125x64xf32, #tpu.memory_space<vmem>> -> memref<125x64xf32, #tpu.memory_space<vmem>>
    %dma_wait3A_204 = arith.constant 0 : i32
    %dma_wait3A_205 = tpu.memref_slice %arg6[%dma_wait3A_198, %dma_wait3A_204] : memref<80x125xi32, #tpu.memory_space<vmem>> -> memref<1x125xi32, #tpu.memory_space<vmem>>
    %dma_wait3A_206 = tpu.memref_squeeze %dma_wait3A_205 : memref<1x125xi32, #tpu.memory_space<vmem>> -> memref<125xi32, #tpu.memory_space<vmem>>
    %dma_wait3A_207 = arith.constant 0 : i32
    %dma_wait3A_208 = arith.constant 0 : i32
    %dma_wait3A_209 = tpu.memref_slice %arg13[%dma_wait3A_207, %dma_wait3A_208] : memref<10000x64xf32, #tpu.memory_space<vmem_shared>> -> memref<10000x64xf32, #tpu.memory_space<vmem_shared>>
    tpu.wait_indirect_dma semaphore(%arg10 : memref<!tpu.dma_semaphore, #tpu.memory_space<semaphore_mem>>) src(%dma_wait3A_209 : memref<10000x64xf32, #tpu.memory_space<vmem_shared>>) dst(%dma_wait3A_203 : memref<125x64xf32, #tpu.memory_space<vmem>>)
    %dma_start3A_210 = arith.constant 1 : i32
    %dma_start3A_211 = arith.constant 79 : i32
    %dma_start3A_212 = arith.constant 0 : i32
    %dma_start3A_213 = arith.constant 0 : i32
    %dma_start3A_214 = tpu.memref_slice %arg8[%dma_start3A_210, %dma_start3A_212, %dma_start3A_213] : memref<2x125x64xf32, #tpu.memory_space<vmem>> -> memref<1x125x64xf32, #tpu.memory_space<vmem>>
    %dma_start3A_215 = tpu.memref_squeeze %dma_start3A_214 : memref<1x125x64xf32, #tpu.memory_space<vmem>> -> memref<125x64xf32, #tpu.memory_space<vmem>>
    %dma_start3A_216 = arith.constant 0 : i32
    %dma_start3A_217 = tpu.memref_slice %arg7[%dma_start3A_211, %dma_start3A_216] : memref<80x125xi32, #tpu.memory_space<vmem>> -> memref<1x125xi32, #tpu.memory_space<vmem>>
    %dma_start3A_218 = tpu.memref_squeeze %dma_start3A_217 : memref<1x125xi32, #tpu.memory_space<vmem>> -> memref<125xi32, #tpu.memory_space<vmem>>
    %dma_start3A_219 = arith.constant 0 : i32
    %dma_start3A_220 = arith.constant 0 : i32
    %dma_start3A_221 = tpu.memref_slice %arg14[%dma_start3A_219, %dma_start3A_220] : memref<10000x64xf32, #tpu.memory_space<vmem_shared>> -> memref<10000x64xf32, #tpu.memory_space<vmem_shared>>
    tpu.enqueue_indirect_dma source(%dma_start3A_215 : memref<125x64xf32, #tpu.memory_space<vmem>>) target(%dma_start3A_221 : memref<10000x64xf32, #tpu.memory_space<vmem_shared>>) offsets(%dma_start3A_218 : memref<125xi32, #tpu.memory_space<vmem>>) semaphore(%arg12 : memref<!tpu.dma_semaphore, #tpu.memory_space<semaphore_mem>>) {add = true}
    %dma_wait3A_222 = arith.constant 0 : i32
    %dma_wait3A_223 = arith.constant 78 : i32
    %dma_wait3A_224 = arith.constant 0 : i32
    %dma_wait3A_225 = arith.constant 0 : i32
    %dma_wait3A_226 = tpu.memref_slice %arg8[%dma_wait3A_222, %dma_wait3A_224, %dma_wait3A_225] : memref<2x125x64xf32, #tpu.memory_space<vmem>> -> memref<1x125x64xf32, #tpu.memory_space<vmem>>
    %dma_wait3A_227 = tpu.memref_squeeze %dma_wait3A_226 : memref<1x125x64xf32, #tpu.memory_space<vmem>> -> memref<125x64xf32, #tpu.memory_space<vmem>>
    %dma_wait3A_228 = arith.constant 0 : i32
    %dma_wait3A_229 = tpu.memref_slice %arg7[%dma_wait3A_223, %dma_wait3A_228] : memref<80x125xi32, #tpu.memory_space<vmem>> -> memref<1x125xi32, #tpu.memory_space<vmem>>
    %dma_wait3A_230 = tpu.memref_squeeze %dma_wait3A_229 : memref<1x125xi32, #tpu.memory_space<vmem>> -> memref<125xi32, #tpu.memory_space<vmem>>
    %dma_wait3A_231 = arith.constant 0 : i32
    %dma_wait3A_232 = arith.constant 0 : i32
    %dma_wait3A_233 = tpu.memref_slice %arg14[%dma_wait3A_231, %dma_wait3A_232] : memref<10000x64xf32, #tpu.memory_space<vmem_shared>> -> memref<10000x64xf32, #tpu.memory_space<vmem_shared>>
    tpu.wait_indirect_dma semaphore(%arg11 : memref<!tpu.dma_semaphore, #tpu.memory_space<semaphore_mem>>) src(%dma_wait3A_227 : memref<125x64xf32, #tpu.memory_space<vmem>>) dst(%dma_wait3A_233 : memref<10000x64xf32, #tpu.memory_space<vmem_shared>>)
    %dma_wait3A_234 = arith.constant 1 : i32
    %dma_wait3A_235 = arith.constant 79 : i32
    %dma_wait3A_236 = arith.constant 0 : i32
    %dma_wait3A_237 = arith.constant 0 : i32
    %dma_wait3A_238 = tpu.memref_slice %arg8[%dma_wait3A_234, %dma_wait3A_236, %dma_wait3A_237] : memref<2x125x64xf32, #tpu.memory_space<vmem>> -> memref<1x125x64xf32, #tpu.memory_space<vmem>>
    %dma_wait3A_239 = tpu.memref_squeeze %dma_wait3A_238 : memref<1x125x64xf32, #tpu.memory_space<vmem>> -> memref<125x64xf32, #tpu.memory_space<vmem>>
    %dma_wait3A_240 = arith.constant 0 : i32
    %dma_wait3A_241 = tpu.memref_slice %arg7[%dma_wait3A_235, %dma_wait3A_240] : memref<80x125xi32, #tpu.memory_space<vmem>> -> memref<1x125xi32, #tpu.memory_space<vmem>>
    %dma_wait3A_242 = tpu.memref_squeeze %dma_wait3A_241 : memref<1x125xi32, #tpu.memory_space<vmem>> -> memref<125xi32, #tpu.memory_space<vmem>>
    %dma_wait3A_243 = arith.constant 0 : i32
    %dma_wait3A_244 = arith.constant 0 : i32
    %dma_wait3A_245 = tpu.memref_slice %arg14[%dma_wait3A_243, %dma_wait3A_244] : memref<10000x64xf32, #tpu.memory_space<vmem_shared>> -> memref<10000x64xf32, #tpu.memory_space<vmem_shared>>
    tpu.wait_indirect_dma semaphore(%arg12 : memref<!tpu.dma_semaphore, #tpu.memory_space<semaphore_mem>>) src(%dma_wait3A_239 : memref<125x64xf32, #tpu.memory_space<vmem>>) dst(%dma_wait3A_245 : memref<10000x64xf32, #tpu.memory_space<vmem_shared>>)
    %barrier3A_246 = arith.constant 0 : index
    tpu.barrier barrier_id(%barrier3A_246)
    "tpu.region"() ({
      %run_scoped3A_248 = tpu.sem_alloc : memref<!tpu.dma_semaphore, #tpu.memory_space<semaphore_mem>>
      %dma_start3A_249 = arith.constant 64 : i32
      %dma_start3A_250 = tpu.memref_slice %arg5[%arg0, %mul3A_2, %dma_start3A_249] : memref<2x10000x128xf32, #tpu.memory_space<hbm>> -> memref<1x625x64xf32, #tpu.memory_space<hbm>>
      %dma_start3A_251 = tpu.memref_squeeze %dma_start3A_250 : memref<1x625x64xf32, #tpu.memory_space<hbm>> -> memref<625x64xf32, #tpu.memory_space<hbm>>
      %dma_start3A_252 = arith.constant 0 : i32
      %dma_start3A_253 = tpu.memref_slice %arg14[%mul3A_2, %dma_start3A_252] : memref<10000x64xf32, #tpu.memory_space<vmem_shared>> -> memref<625x64xf32, #tpu.memory_space<vmem_shared>>
      tpu.enqueue_dma source(%dma_start3A_253 : memref<625x64xf32, #tpu.memory_space<vmem_shared>>) target(%dma_start3A_251 : memref<625x64xf32, #tpu.memory_space<hbm>>) target_semaphore(%run_scoped3A_248 : memref<!tpu.dma_semaphore, #tpu.memory_space<semaphore_mem>>)
      %dma_wait3A_254 = arith.constant 64 : i32
      %dma_wait3A_255 = tpu.memref_slice %arg5[%arg0, %mul3A_2, %dma_wait3A_254] : memref<2x10000x128xf32, #tpu.memory_space<hbm>> -> memref<1x625x64xf32, #tpu.memory_space<hbm>>
      %dma_wait3A_256 = tpu.memref_squeeze %dma_wait3A_255 : memref<1x625x64xf32, #tpu.memory_space<hbm>> -> memref<625x64xf32, #tpu.memory_space<hbm>>
      %dma_wait3A_257 = arith.constant 0 : i32
      %dma_wait3A_258 = tpu.memref_slice %arg14[%mul3A_2, %dma_wait3A_257] : memref<10000x64xf32, #tpu.memory_space<vmem_shared>> -> memref<625x64xf32, #tpu.memory_space<vmem_shared>>
      tpu.wait_dma2 semaphore(%run_scoped3A_248 : memref<!tpu.dma_semaphore, #tpu.memory_space<semaphore_mem>>) src(%dma_wait3A_258 : memref<625x64xf32, #tpu.memory_space<vmem_shared>>) dst(%dma_wait3A_256 : memref<625x64xf32, #tpu.memory_space<hbm>>)
      tpu.yield
    }) : () -> ()
    %barrier3A_247 = arith.constant 0 : index
    tpu.barrier barrier_id(%barrier3A_247)
    return
  }
}

module attributes {stable_mosaic.version = 14 : i64} {
  func.func @_hs_body(%arg0: i32, %arg1: memref<2000x128xf32, #tpu.memory_space<vmem>>, %arg2: memref<128x128xf32, #tpu.memory_space<vmem>>, %arg3: memref<2x2000x8xf32, #tpu.memory_space<vmem>>, %arg4: memref<2000x128xf32, #tpu.memory_space<vmem>>) attributes {dimension_semantics = [#tpu.dimension_semantics<arbitrary>], iteration_bounds = array<i64: 5>, scalar_prefetch = 0 : i64, scratch_operands = 0 : i64, tpu.core_type = #tpu.core_type<tc>, window_params = [{transform_indices = @transform_0, window_bounds = array<i64: 2000, 128>}, {pipeline_mode = #tpu.pipeline_mode<synchronous>, transform_indices = @transform_1, window_bounds = array<i64: 128, 128>}, {transform_indices = @transform_2, window_bounds = array<i64: 2, 2000, 8>}, {transform_indices = @transform_3, window_bounds = array<i64: 2000, 128>}]} {
    %get3A = arith.constant 0 : index
    %get3A_0 = arith.constant 0 : index
    %get3A_1 = vector.load %arg1[%get3A, %get3A_0] : memref<2000x128xf32, #tpu.memory_space<vmem>>, vector<2000x128xf32>
    %get3A_2 = arith.constant 0 : index
    %get3A_3 = arith.constant 0 : index
    %get3A_4 = vector.load %arg2[%get3A_2, %get3A_3] : memref<128x128xf32, #tpu.memory_space<vmem>>, vector<128x128xf32>
    %dot_general3A = arith.constant dense<0.000000e+00> : vector<2000x128xf32>
    %dot_general3A_5 = tpu.matmul %get3A_1, %get3A_4, %dot_general3A {dimension_numbers = #tpu.dot_dimension_numbers<[1], [0], [0], [1], [0, 0, 1, 1], [], []>, transpose_lhs_hint = false} : vector<2000x128xf32>, vector<128x128xf32>, vector<2000x128xf32> -> vector<2000x128xf32>
    %get3A_6 = arith.constant 0 : index
    %get3A_7 = arith.constant 0 : index
    %get3A_8 = arith.constant 0 : index
    %get3A_9 = vector.load %arg3[%get3A_6, %get3A_7, %get3A_8] : memref<2x2000x8xf32, #tpu.memory_space<vmem>>, vector<2x2000x8xf32>
    %slice3A = vector.extract_strided_slice %get3A_9 {offsets = [0, 0, 0], sizes = [1, 2000, 8], strides = [1, 1, 1]} : vector<2x2000x8xf32> to vector<1x2000x8xf32>
    %squeeze3A = vector.shape_cast %slice3A : vector<1x2000x8xf32> to vector<2000x8xf32>
    %slice3A_10 = vector.extract_strided_slice %get3A_9 {offsets = [1, 0, 0], sizes = [1, 2000, 8], strides = [1, 1, 1]} : vector<2x2000x8xf32> to vector<1x2000x8xf32>
    %squeeze3A_11 = vector.shape_cast %slice3A_10 : vector<1x2000x8xf32> to vector<2000x8xf32>
    %add3A = arith.addf %squeeze3A, %squeeze3A_11 : vector<2000x8xf32>
    %add3A_12 = arith.constant 1.000000e+00 : f32
    %add3A_13 = vector.broadcast %add3A_12 : f32 to vector<2000x8xf32>
    %add3A_14 = arith.addf %add3A, %add3A_13 : vector<2000x8xf32>
    %rsqrt3A = math.rsqrt %add3A_14 : vector<2000x8xf32>
    %slice3A_15 = vector.extract_strided_slice %rsqrt3A {offsets = [0, 0], sizes = [2000, 1], strides = [1, 1]} : vector<2000x8xf32> to vector<2000x1xf32>
    %mul3A = vector.broadcast %slice3A_15 : vector<2000x1xf32> to vector<2000x128xf32>
    %mul3A_16 = arith.mulf %dot_general3A_5, %mul3A : vector<2000x128xf32>
    %swap3A = arith.constant 0 : index
    %swap3A_17 = arith.constant 0 : index
    %swap3A_18 = vector.load %arg4[%swap3A, %swap3A_17] : memref<2000x128xf32, #tpu.memory_space<vmem>>, vector<2000x128xf32>
    tpu.vector_store %arg4[%swap3A, %swap3A_17], %mul3A_16 {strides = array<i32>} : memref<2000x128xf32, #tpu.memory_space<vmem>>, vector<2000x128xf32>,
    return
  }
  func.func @transform_0(%arg0: i32) -> (i32, i32) {
    %c0_i32 = arith.constant 0 : i32
    %c0_i32_0 = arith.constant 0 : i32
    return %arg0, %c0_i32 : i32, i32
  }
  func.func @transform_1(%arg0: i32) -> (i32, i32) {
    %c0_i32 = arith.constant 0 : i32
    %c0_i32_0 = arith.constant 0 : i32
    %c0_i32_1 = arith.constant 0 : i32
    return %c0_i32, %c0_i32_0 : i32, i32
  }
  func.func @transform_2(%arg0: i32) -> (i32, i32, i32) {
    %c0_i32 = arith.constant 0 : i32
    %c0_i32_0 = arith.constant 0 : i32
    %c0_i32_1 = arith.constant 0 : i32
    return %c0_i32, %arg0, %c0_i32_0 : i32, i32, i32
  }
  func.func @transform_3(%arg0: i32) -> (i32, i32) {
    %c0_i32 = arith.constant 0 : i32
    %c0_i32_0 = arith.constant 0 : i32
    return %arg0, %c0_i32 : i32, i32
  }
}

module attributes {stable_mosaic.version = 14 : i64} {
  func.func @_out_body(%arg0: i32, %arg1: memref<2x2000x128xf32, #tpu.memory_space<vmem>>, %arg2: memref<2000x128xf32, #tpu.memory_space<vmem>>, %arg3: memref<2x2000x8xf32, #tpu.memory_space<vmem>>, %arg4: memref<128x128xf32, #tpu.memory_space<vmem>>, %arg5: memref<128xf32, #tpu.memory_space<vmem>>, %arg6: memref<128xf32, #tpu.memory_space<vmem>>, %arg7: memref<2000x40xf32, #tpu.memory_space<vmem>>) attributes {dimension_semantics = [#tpu.dimension_semantics<arbitrary>], iteration_bounds = array<i64: 5>, scalar_prefetch = 0 : i64, scratch_operands = 0 : i64, tpu.core_type = #tpu.core_type<tc>, window_params = [{transform_indices = @transform_0, window_bounds = array<i64: 2, 2000, 128>}, {transform_indices = @transform_1, window_bounds = array<i64: 2000, 128>}, {transform_indices = @transform_2, window_bounds = array<i64: 2, 2000, 8>}, {pipeline_mode = #tpu.pipeline_mode<synchronous>, transform_indices = @transform_3, window_bounds = array<i64: 128, 128>}, {pipeline_mode = #tpu.pipeline_mode<synchronous>, transform_indices = @transform_4, window_bounds = array<i64: 128>}, {pipeline_mode = #tpu.pipeline_mode<synchronous>, transform_indices = @transform_5, window_bounds = array<i64: 128>}, {transform_indices = @transform_6, window_bounds = array<i64: 2000, 40>}]} {
    %get3A = arith.constant 0 : index
    %get3A_0 = arith.constant 0 : index
    %get3A_1 = arith.constant 0 : index
    %get3A_2 = vector.load %arg3[%get3A, %get3A_0, %get3A_1] : memref<2x2000x8xf32, #tpu.memory_space<vmem>>, vector<2x2000x8xf32>
    %slice3A = vector.extract_strided_slice %get3A_2 {offsets = [0, 0, 0], sizes = [1, 2000, 8], strides = [1, 1, 1]} : vector<2x2000x8xf32> to vector<1x2000x8xf32>
    %squeeze3A = vector.shape_cast %slice3A : vector<1x2000x8xf32> to vector<2000x8xf32>
    %slice3A_3 = vector.extract_strided_slice %get3A_2 {offsets = [1, 0, 0], sizes = [1, 2000, 8], strides = [1, 1, 1]} : vector<2x2000x8xf32> to vector<1x2000x8xf32>
    %squeeze3A_4 = vector.shape_cast %slice3A_3 : vector<1x2000x8xf32> to vector<2000x8xf32>
    %add3A = arith.addf %squeeze3A, %squeeze3A_4 : vector<2000x8xf32>
    %add3A_5 = arith.constant 1.000000e+00 : f32
    %add3A_6 = vector.broadcast %add3A_5 : f32 to vector<2000x8xf32>
    %add3A_7 = arith.addf %add3A, %add3A_6 : vector<2000x8xf32>
    %rsqrt3A = math.rsqrt %add3A_7 : vector<2000x8xf32>
    %slice3A_8 = vector.extract_strided_slice %rsqrt3A {offsets = [0, 0], sizes = [2000, 1], strides = [1, 1]} : vector<2000x8xf32> to vector<2000x1xf32>
    %get3A_9 = arith.constant 0 : index
    %get3A_10 = arith.constant 0 : index
    %get3A_11 = arith.constant 0 : index
    %get3A_12 = vector.load %arg1[%get3A_9, %get3A_10, %get3A_11] : memref<2x2000x128xf32, #tpu.memory_space<vmem>>, vector<2x2000x128xf32>
    %slice3A_13 = vector.extract_strided_slice %get3A_12 {offsets = [0, 0, 0], sizes = [1, 2000, 128], strides = [1, 1, 1]} : vector<2x2000x128xf32> to vector<1x2000x128xf32>
    %squeeze3A_14 = vector.shape_cast %slice3A_13 : vector<1x2000x128xf32> to vector<2000x128xf32>
    %slice3A_15 = vector.extract_strided_slice %get3A_12 {offsets = [1, 0, 0], sizes = [1, 2000, 128], strides = [1, 1, 1]} : vector<2x2000x128xf32> to vector<1x2000x128xf32>
    %squeeze3A_16 = vector.shape_cast %slice3A_15 : vector<1x2000x128xf32> to vector<2000x128xf32>
    %add3A_17 = arith.addf %squeeze3A_14, %squeeze3A_16 : vector<2000x128xf32>
    %get3A_18 = arith.constant 0 : index
    %get3A_19 = arith.constant 0 : index
    %get3A_20 = vector.load %arg2[%get3A_18, %get3A_19] : memref<2000x128xf32, #tpu.memory_space<vmem>>, vector<2000x128xf32>
    %add3A_21 = arith.addf %add3A_17, %get3A_20 : vector<2000x128xf32>
    %mul3A = vector.broadcast %slice3A_8 : vector<2000x1xf32> to vector<2000x128xf32>
    %mul3A_22 = arith.mulf %add3A_21, %mul3A : vector<2000x128xf32>
    %get3A_23 = arith.constant 0 : index
    %get3A_24 = vector.load %arg5[%get3A_23] : memref<128xf32, #tpu.memory_space<vmem>>, vector<128xf32>
    %broadcast_in_dim3A = vector.shape_cast %get3A_24 : vector<128xf32> to vector<1x128xf32>
    %add3A_25 = vector.broadcast %broadcast_in_dim3A : vector<1x128xf32> to vector<2000x128xf32>
    %add3A_26 = arith.addf %mul3A_22, %add3A_25 : vector<2000x128xf32>
    %get3A_27 = arith.constant 0 : index
    %get3A_28 = arith.constant 0 : index
    %get3A_29 = vector.load %arg4[%get3A_27, %get3A_28] : memref<128x128xf32, #tpu.memory_space<vmem>>, vector<128x128xf32>
    %dot_general3A = arith.constant dense<0.000000e+00> : vector<2000x128xf32>
    %dot_general3A_30 = tpu.matmul %add3A_26, %get3A_29, %dot_general3A {dimension_numbers = #tpu.dot_dimension_numbers<[1], [0], [0], [1], [0, 0, 1, 1], [], []>, transpose_lhs_hint = false} : vector<2000x128xf32>, vector<128x128xf32>, vector<2000x128xf32> -> vector<2000x128xf32>
    %get3A_31 = arith.constant 0 : index
    %get3A_32 = vector.load %arg6[%get3A_31] : memref<128xf32, #tpu.memory_space<vmem>>, vector<128xf32>
    %broadcast_in_dim3A_33 = vector.shape_cast %get3A_32 : vector<128xf32> to vector<1x128xf32>
    %add3A_34 = vector.broadcast %broadcast_in_dim3A_33 : vector<1x128xf32> to vector<2000x128xf32>
    %add3A_35 = arith.addf %dot_general3A_30, %add3A_34 : vector<2000x128xf32>
    %slice3A_36 = vector.extract_strided_slice %add3A_35 {offsets = [0, 0], sizes = [2000, 40], strides = [1, 1]} : vector<2000x128xf32> to vector<2000x40xf32>
    %swap3A = arith.constant 0 : index
    %swap3A_37 = arith.constant 0 : index
    %swap3A_38 = vector.load %arg7[%swap3A, %swap3A_37] : memref<2000x40xf32, #tpu.memory_space<vmem>>, vector<2000x40xf32>
    tpu.vector_store %arg7[%swap3A, %swap3A_37], %slice3A_36 {strides = array<i32>} : memref<2000x40xf32, #tpu.memory_space<vmem>>, vector<2000x40xf32>,
    return
  }
  func.func @transform_0(%arg0: i32) -> (i32, i32, i32) {
    %c0_i32 = arith.constant 0 : i32
    %c0_i32_0 = arith.constant 0 : i32
    %c0_i32_1 = arith.constant 0 : i32
    return %c0_i32, %arg0, %c0_i32_0 : i32, i32, i32
  }
  func.func @transform_1(%arg0: i32) -> (i32, i32) {
    %c0_i32 = arith.constant 0 : i32
    %c0_i32_0 = arith.constant 0 : i32
    return %arg0, %c0_i32 : i32, i32
  }
  func.func @transform_2(%arg0: i32) -> (i32, i32, i32) {
    %c0_i32 = arith.constant 0 : i32
    %c0_i32_0 = arith.constant 0 : i32
    %c0_i32_1 = arith.constant 0 : i32
    return %c0_i32, %arg0, %c0_i32_0 : i32, i32, i32
  }
  func.func @transform_3(%arg0: i32) -> (i32, i32) {
    %c0_i32 = arith.constant 0 : i32
    %c0_i32_0 = arith.constant 0 : i32
    %c0_i32_1 = arith.constant 0 : i32
    return %c0_i32, %c0_i32_0 : i32, i32
  }
  func.func @transform_4(%arg0: i32) -> i32 {
    %c0_i32 = arith.constant 0 : i32
    %c0_i32_0 = arith.constant 0 : i32
    return %c0_i32 : i32
  }
  func.func @transform_5(%arg0: i32) -> i32 {
    %c0_i32 = arith.constant 0 : i32
    %c0_i32_0 = arith.constant 0 : i32
    return %c0_i32 : i32
  }
  func.func @transform_6(%arg0: i32) -> (i32, i32) {
    %c0_i32 = arith.constant 0 : i32
    %c0_i32_0 = arith.constant 0 : i32
    return %arg0, %c0_i32 : i32, i32
  }
}

</mosaic_0001>

<sc_bundles>
// kernel: kernel.6.cloned.1.call-start
scs
__scs_entry_jumppad:
0x0: {  	(pc) =	sbr.rel $0x88, $3  }
0x1: {  	(tag) =	ssettag $0x0;
	lr =	simm.s32 $0x1  }
0x2: {  	[smem:$0x3F9B] =	sst lr;
	_ =	strace $0xD0000000  }
0x3: {  	_ = 	snop  }
0x4: {  	_ = 	snop  }
0x5: {  	_ = 	snop  }
0x6: {  	_ = 	snop  }
0x7: {  	_ = 	snop  }
__scs_overlays_trampoline_lowered:
0x8: {  	[smem:$0x3FAA] =	sst s0  }
0x9: {  	[smem:$0x3FAB] =	sst s1  }
0xa: {  	[smem:$0x3FAC] =	sst s2  }
0xb: {  	[smem:$0x3FAD] =	sst s3  }
0xc: {  	[smem:$0x3FAE] =	sst s4  }
0xd: {  	[smem:$0x3FAF] =	sst s5  }
0xe: {  	[smem:$0x3FB0] =	sst s6  }
0xf: {  	[smem:$0x3FB1] =	sst s7  }
0x10: {  	[smem:$0x3FB2] =	sst s8  }
0x11: {  	[smem:$0x3FB3] =	sst s9;
	s0 =	simm.s32 @!p0 $0x0  }
0x12: {  	s1 =	sld [smem:$0x3F99];
	s0 =	simm.s32 @p0 $0x1  }
0x13: {  	[smem:$0x3FB4] =	sst s0;
	s0 =	simm.s32 @!p1 $0x0  }
0x14: {  	s2 =	sld [smem:$0x3F98];
	s0 =	simm.s32 @p1 $0x1  }
0x15: {  	[smem:$0x3FB5] =	sst s0;
	s0 =	simm.s32 @!p2 $0x0  }
0x16: {  	s3 =	sld [smem:$0x3FDB];
	s0 =	simm.s32 @p2 $0x1  }
0x17: {  	s4 =	simm.s32 $0x1BF5;
	[smem:$0x3FB7] =	sst s0  }
0x18: {  	s0 =	sld [smem:$0x3F9A];
	_ =	swait.ge [sflag:s4], $0x0  }
0x19: {  	s7 =	sld [smem:$0x3F9B]  }
0x1a: {  	s8 =	sadd.s32 $0xFFFFE003, lr  }
0x1b: {  	s9 =	sadd.s32 $0xFFFFFEF7, lr;
	s5 =	simm.s32 $0xFFFFFFFF;
	p2 =	slt.u32 s8, $0xFFFFF086  }
0x1c: {  	p1 =	slt.u32 s9, $0xF7A;
	s5 =	simm.s32 @!p2 $0x0  }
0x1d: {  	s5 =	simm.s32 @p1 $0x1;
	p0 =	seq.s32 s7, s2  }
0x1e: {  	s7 =	smul.u32 @!p0 $0xF7A, s2;
	p2 =	seq.s32 @!p0 s5, $0x0  }
0x1f: {  	s9 =	smul.u32 $0xF7A, s1;
	s8 =	simm.s32 @!p0 $0x1BF5;
	p2 =	por !p2, p0  }
0x20: {  	[sflag:s8] =	ssyncset.s32 @!p0 $0xFFFFF086;
	s6 =	sadd.s32 @!p0 s3, s7;
	s7 =	simm.s32 @!p0 $0x108  }
0x21: {  	s3 =	sadd.s32 s3, s9;
	s6 =	sadd.s32 @!p0 $0x88, s6;
	s7 =	simm.s32 @p2 $0x1082  }
0x22: {  	[simem:s7], [sflag:s8] =	dma.local @!p0 [hbm:s6], $0xF7A  }
0x23: {  	s9 =	sor.u32 $0xD0000000, s2;
	s6 =	simm.s32 $0x108;
	_ =	swait.ge @!p0 [sflag:s8], $0x0  }
0x24: {  	s3 =	sadd.s32 $0x88, s3;
	s6 =	simm.s32 @!p1 $0x1082;
	[sflag:s4] =	ssyncset.s32 $0xFFFFF086  }
0x25: {  	[simem:s6], [sflag:s4] =	dma.local [hbm:s3], $0xF7A  }
0x26: {  	[smem:$0x3F9B] =	sst s1;
	(tag) =	ssettag s2;
	_ =	strace s9  }
0x27: {  	s1 =	sld [smem:$0x3FAB]  }
0x28: {  	s2 =	sld [smem:$0x3FAC]  }
0x29: {  	s4 =	sld [smem:$0x3FAE]  }
0x2a: {  	p0 =	seq.s32 s5, $0x0;
	s5 =	sld [smem:$0x3FAF]  }
0x2b: {  	s6 =	sld [smem:$0x3FB0]  }
0x2c: {  	s7 =	sld [smem:$0x3FB1]  }
0x2d: {  	s3 =	simm.s32 $0x108;
	s8 =	sld [smem:$0x3FB2]  }
0x2e: {  	s3 =	simm.s32 @!p0 $0x1082;
	s9 =	sld [smem:$0x3FB3]  }
0x2f: {  	lr =	sadd.s32 s0, s3;
	s0 =	sld [smem:$0x3FAA]  }
0x30: {  	s3 =	sld [smem:$0x3FAD]  }
0x31: {  	[smem:$0x3FB6] =	sst s10  }
0x32: {  	s10 =	sld [smem:$0x3FB4];
	_ =	sdelay $0x3  }
0x33: {  	p0 =	seq.s32 s10, $0x1;
	s10 =	sld [smem:$0x3FB6];
	_ =	sdelay $0x3  }
0x34: {  	[smem:$0x3FB6] =	sst s10  }
0x35: {  	s10 =	sld [smem:$0x3FB5];
	_ =	sdelay $0x3  }
0x36: {  	p1 =	seq.s32 s10, $0x1;
	s10 =	sld [smem:$0x3FB6];
	_ =	sdelay $0x3  }
0x37: {  	[smem:$0x3FB6] =	sst s10  }
0x38: {  	s10 =	sld [smem:$0x3FB7]  }
0x39: {  	_ = 	snop;
	(pc) =	sbr.ind lr, $3  }
0x3a: {  	_ = 	snop  }
0x3b: {  	_ = 	snop  }
0x3c: {  	p2 =	seq.s32 s10, $0x1;
	s10 =	sld [smem:$0x3FB6]  }
0x3d: {  	_ =	shalt  }
0x3e: {  	_ =	shalt  }
0x3f: {  	_ =	shalt  }
0x40: {  	_ =	shalt  }
0x41: {  	_ =	shalt  }
0x42: {  	_ =	shalt  }
0x43: {  	_ =	shalt  }
0x44: {  	_ =	shalt  }
0x45: {  	_ =	shalt  }
0x46: {  	_ =	shalt  }
0x47: {  	_ =	shalt  }
0x48: {  	_ =	shalt  }
0x49: {  	_ =	shalt  }
0x4a: {  	_ =	shalt  }
0x4b: {  	_ =	shalt  }
0x4c: {  	_ =	shalt  }
0x4d: {  	_ =	shalt  }
0x4e: {  	_ =	shalt  }
0x4f: {  	_ =	shalt  }
0x50: {  	_ =	shalt  }
0x51: {  	_ =	shalt  }
0x52: {  	_ =	shalt  }
0x53: {  	_ =	shalt  }
0x54: {  	_ =	shalt  }
0x55: {  	_ =	shalt  }
0x56: {  	_ =	shalt  }
0x57: {  	_ =	shalt  }
0x58: {  	_ =	shalt  }
0x59: {  	_ =	shalt  }
0x5a: {  	_ =	shalt  }
0x5b: {  	_ =	shalt  }
0x5c: {  	_ =	shalt  }
0x5d: {  	_ =	shalt  }
0x5e: {  	_ =	shalt  }
0x5f: {  	_ =	shalt  }
0x60: {  	_ =	shalt  }
0x61: {  	_ =	shalt  }
0x62: {  	_ =	shalt  }
0x63: {  	_ =	shalt  }
0x64: {  	_ =	shalt  }
0x65: {  	_ =	shalt  }
0x66: {  	_ =	shalt  }
0x67: {  	_ =	shalt  }
0x68: {  	_ =	shalt  }
0x69: {  	_ =	shalt  }
0x6a: {  	_ =	shalt  }
0x6b: {  	_ =	shalt  }
0x6c: {  	_ =	shalt  }
0x6d: {  	_ =	shalt  }
0x6e: {  	_ =	shalt  }
0x6f: {  	_ =	shalt  }
0x70: {  	_ =	shalt  }
0x71: {  	_ =	shalt  }
0x72: {  	_ =	shalt  }
0x73: {  	_ =	shalt  }
0x74: {  	_ =	shalt  }
0x75: {  	_ =	shalt  }
0x76: {  	_ =	shalt  }
0x77: {  	_ =	shalt  }
0x78: {  	_ =	shalt  }
0x79: {  	_ =	shalt  }
0x7a: {  	_ =	shalt  }
0x7b: {  	_ =	shalt  }
0x7c: {  	_ =	shalt  }
0x7d: {  	_ =	shalt  }
0x7e: {  	_ =	shalt  }
0x7f: {  	_ =	shalt  }
0x80: {  	_ =	shalt  }
0x81: {  	_ =	shalt  }
0x82: {  	_ =	shalt  }
0x83: {  	_ =	shalt  }
0x84: {  	_ =	shalt  }
0x85: {  	_ =	shalt  }
0x86: {  	_ =	shalt  }
0x87: {  	_ =	shalt  }
.Lfunc_end0:
.L_simem_size_0:
called_computation_lowered:
.L_overlay_start_0:
0x88: {  	s2 =	sld [smem:$0x3FD9]  }
0x89: {  	s3 =	sld [smem:$0x3FFE];
	_ =	sdelay $0x1  }
0x8a: {  	s1 =	srdreg.scid  }
0x8b: {  	s0 =	sand.u32 $0x1, s1  }
0x8c: {  	s17 =	sshll.u32 s0, $0xA;
	s2 =	sadd.s32 s3, s2  }
0x8d: {  	s2 =	sadd.s32 s2, s17  }
0x8e: {  	[smem:$0x3FC2] =	sst s2  }
0x8f: {  	_ = 	snop  }
0x90: {  	s2 =	sld [smem:$0x3FD0];
	(tm) =	ssettm $0x1  }
0x91: {  	s18 =	sld [smem:$0x3FFB];
	_ =	sdelay $0x3  }
0x92: {  	_ =	strace s18  }
0x93: {  	s3 =	sld [smem:$0x3FFC];
	_ =	sdelay $0x3  }
0x94: {  	_ =	strace s3  }
0x95: {  	s3 =	sld [smem:$0x3FFD];
	_ =	sdelay $0x3  }
0x96: {  	_ =	strace s3  }
0x97: {  	_ =	strace $0x8FFFFFFF  }
0x98: {  	s19 =	sld [smem:$0x3FDB];
	_ =	sdelay $0x1  }
0x99: {  	s4 =	simm.s32 $_scs_section_size  }
0x9a: {  	s5 =	simm.s32 $_size__tile_overlayer_lowered;
	s6 =	simm.s32 $_tile_overlayer_lowered  }
0x9b: {  	s22 =	simm.s32 $0x1BFF;
	s21 =	sshll.u32 s6, $0x1;
	s3 =	sadd.s32 s4, s19  }
0x9c: {  	s7 =	simm.s32 $0x0;
	s20 =	sshll.u32 s5, $0x1;
	s5 =	sadd.s32 s21, s3  }
0x9d: {  	[timem:s7], [sflag:s22] =	dma.local [hbm:s5], s20  }
0x9e: {  	_ =	swait.ge [sflag:s22], s20  }
0x9f: {  	s4 =	ssub.s32 $0x0, s20;
	[sflag:s22] =	ssyncset.done $0x0  }
0xa0: {  	[sflag:s22] =	ssyncadd.s32 s4;
	_ =	sdelay $0x1  }
0xa1: {  	s23 =	simm.s32 $0x1B8B  }
0xa2: {  	_ =	swait.ge [sflag:s23], $0x1  }
0xa3: {  	[sflag:s23] =	ssyncset.done $0x0  }
0xa4: {  	s25 =	simm.s32 $0x1B8E;
	s24 =	sld [smem:$0x3FFE];
	[sflag:s23] =	ssyncadd.s32 $0xFFFFFFFF  }
0xa5: {  	s26 =	simm.s32 $execute0_lowered;
	[smem:$0x3FD2] =	sst s25  }
0xa6: {  	s5 =	sshll.u32 s26, $0x1;
	_ =	strace $0x80000046;
	[dreg:$0x1] =	wrdreg $0xFFFFFFFF  }
0xa7: {  	s28 =	simm.s32 $_size_execute0_lowered;
	s3 =	sadd.s32 s3, s5;
	[dreg:$0x0] =	wrdreg $0x0  }
0xa8: {  	s5 =	sshll.u32 s28, $0x1;
	[dreg:$0x2] =	wrdreg s3  }
0xa9: {  	[dreg:$0x3] =	wrdreg s5  }
0xaa: {  	[dreg:$0x4] =	wrdreg $0xC0  }
0xab: {  	_ =	task [dreg:s7], $0x5FFFF  }
0xac: {  	[dreg:$0x1] =	wrdreg $0xFFFFFFFF  }
0xad: {  	[dreg:$0x0] =	wrdreg $0x60  }
0xae: {  	[dreg:$0x2] =	wrdreg s2  }
0xaf: {  	[dreg:$0x3] =	wrdreg s24  }
0xb0: {  	[dreg:$0x4] =	wrdreg $0x3F700  }
0xb1: {  	[dreg:$0x5] =	wrdreg $0x9  }
0xb2: {  	_ =	task.clear_ibuf [dreg:s7], $0x6FFFF;
	_ =	strace $0x90000046  }
0xb3: {  	s29 =	simm.s32 $0x9;
	_ =	strace $0x80000048  }
0xb4: {  	_ =	swait.ge [sflag:s29], $0x1  }
0xb5: {  	[sflag:s29] =	ssyncadd.s32 $0xFFFFFFFF  }
0xb6: {  	_ =	strace $0x90000048  }
0xb7: {  	_ =	sfence  }
0xb8: {  	s30 =	sld [smem:$0x0];
	_ =	sdelay $0x2  }
0xb9: {  	s31 =	sshll.u32 s1, $0xD;
	s1 =	sshrl.u32 s1, $0x2  }
0xba: {  	s3 =	sand.u32 $0x4000, s31;
	s1 =	sadd.s32 s1, s30  }
0xbb: {  	s0 =	sor.u32 s3, s0;
	s1 =	sshll.u32 s1, $0x11  }
0xbc: {  	s0 =	sor.u32 s1, s0  }
0xbd: {  	s0 =	sadd.s32 $0x8F2B, s0  }
0xbe: {  	[sflag:s0] =	ssyncadd.remote.s32 $0x1  }
0xbf: {  	_ =	sfence.sel $0xFFFF  }
0xc0: {  	[dreg:$0x0] =	wrdreg $0xFFFFFFFF;
	(pc) =	sbr.abs _section_cstart, $3  }
0xc1: {  	[dreg:$0x1] =	wrdreg $0xFFFFFFFF  }
0xc2: {  	_ =	task.clear_ibuf [dreg:s7], $0x2FFFF;
	_ =	strace $0x9FFFFFFF  }
0xc3: {  	(tm) =	ssettm $0x7FFFFFFF  }
tec
execute0_lowered:
.L_overlay_start_1:
0x0: {  	(tag) =	ssettag $0x1  }
0x1: {  	s5 =	rddreg [dreg:$0x0]  }
0x2: {  	s4 =	rddreg [dreg:$0x1];
	s1 =	srdreg.scid  }
0x3: {  	s0 =	stileid.u32;
	s2 =	rddreg [dreg:$0x2];
	s3 =	simm.s32 $0x0  }
0x4: {  	s11 =	simm.s32 $0x2800;
	s12 =	simm.s32 $0x80;
	s13 =	simm.s32 $0x1  }
0x5: {  	s14 =	simm.s32 $0x2;
	s6 =	sand.u32 $0x1, s1;
	s7 =	smul.u32 $0x1388, s0  }
0x6: {  	s15 =	simm.s32 $0x0;
	s1 =	rddreg [dreg:$0x3];
	s8 =	smul.u32 $0x13880, s6  }
0x7: {  	[smem:$0x7FF] =	sst s3;
	s9 =	sshll.u32 s6, $0x4;
	s6 =	ssub.s32 $0x2, s6  }
0x8: {  	_ =	strace $0x80000047;
	s9 =	sor.u32 s0, s9;
	s8 =	sadd.s32 s7, s8  }
0x9: {  	s10 =	sshrl.u32 s6, $0x1;
	s9 =	smul.u32 $0x500, s9;
	s8 =	sshrl.u32 s8, $0x3  }
0xa: {  	s10 =	ssub.s32 s6, s10;
	s8 =	sadd.s32 s8, s4;
	s4 =	sadd.s32 s7, s2  }
0xb: {  	s5 =	sadd.s32 s5, s9;
	s7 =	smax.u32 s10, $0x1;
	s9 =	simm.s32 $0x3  }
0xc: {  	v0 =	vimm.f32 $1.000000000e+00;
	v1 =	vimm.f32 $0.0e+00;
	s10 =	simm.s32 $0x7D;
	s6 =	sadd.s32 $0x1E00, s8;
	s8 =	simm.s32 $0x2BE8  }
.LBB2_1:
0xd: {  	s16 =	simm.s32 $0x0  }
.LBB2_2:
0xe: {  	p0 =	sne.s32 s16, $0xF80  }
.Ltmp0:
0xf: {  	_ = 	snop;
	(pc) =	sbr.rel @p0 .LBB2_2-.Ltmp0, $3  }
0x10: {  	_ =	sdelay $0x1  }
0x11: {  	s17 =	sshra.s32 s16, $0x2  }
0x12: {  	s16 =	sadd.s32 $0x20, s16;
	[tilespmem:s17+$0x2800] =	vst.msk $0xff, v0  }
0x13: {  	s16 =	simm.s32 $0x20;
	s17 =	simm.s32 $0x0  }
.LBB2_4:
0x14: {  	p0 =	sne.s32 s16, $0x4E00;
	[tilespmem:s17+$0x2BE8] =	vst.msk $0xff, v1;
	s17 =	smov.u32 s16;
	s16 =	sadd.s32 $0x20, s16  }
.Ltmp1:
0x15: {  	(pc) =	sbr.rel @p0 .LBB2_4-.Ltmp1, $2  }
0x16: {  	_ =	sdelay $0x2  }
0x17: {  	s17 =	sshra.s32 s17, $0x2  }
0x18: {  	[tilespmem:s17+$0x2BE8] =	vst.msk $0xff, v1  }
0x19: {  	[spmem:s4] =	stream.linear.scatter [tilespmem:s8], [sflag:$0x3], $0x1388, $0x38;
	[tilespmem:$0x52F8] =	vst v63  }
0x1a: {  	_ =	swait.ge [sflag:s9], $0x1388  }
0x1b: {  	[sflag:s9] =	ssyncset.done $0x0  }
0x1c: {  	[sflag:s9] =	ssyncadd.s32 $0xFFFFEC78  }
0x1d: {  	[bflag:$0x0] =	sbarrier.arrive $0xFFFF  }
0x1e: {  	[tilespmem:s3], [sflag:$0x3] =	stream.linear.gather [hbm4b:s5+s3], $0x2800, $0x38;
	[tilespmem:$0x52F8] =	vst v63  }
0x1f: {  	_ =	swait.ge [sflag:s9], $0x2800  }
0x20: {  	[sflag:s9] =	ssyncset.done $0x0  }
0x21: {  	[sflag:s9] =	ssyncadd.s32 $0xFFFFD800  }
0x22: {  	[spmem:s2] =	stream.indirect.scatter.add.f32 [tilespmem:s11], [sflag:$0x1], $0x8, s3, s10, $0xb8;
	[tilespmem:$0x52F8] =	vst v63  }
0x23: {  	_ = 	snop  }
0x24: {  	[spmem:s2] =	stream.indirect.scatter.add.f32 [tilespmem:s11], [sflag:$0x2], $0x8, s12, s10, $0xb8;
	[tilespmem:$0x52F8] =	vst v63  }
0x25: {  	_ =	swait.ge [sflag:s13], $0x3E8  }
0x26: {  	[sflag:s13] =	ssyncset.done $0x0  }
0x27: {  	s16 =	simm.s32 $0x100;
	[sflag:s13] =	ssyncadd.s32 $0xFFFFFC18  }
0x28: {  	[spmem:s2] =	stream.indirect.scatter.add.f32 [tilespmem:s11], [sflag:$0x1], $0x8, s16, s10, $0xb8;
	[tilespmem:$0x52F8] =	vst v63  }
0x29: {  	_ =	swait.ge [sflag:s14], $0x3E8  }
0x2a: {  	[sflag:s14] =	ssyncset.done $0x0  }
0x2b: {  	s17 =	simm.s32 $0x180;
	s16 =	simm.s32 $0xFFFF6800;
	[sflag:s14] =	ssyncadd.s32 $0xFFFFFC18  }
.LBB2_6:
0x2c: {  	[spmem:s2] =	stream.indirect.scatter.add.f32 [tilespmem:s11], [sflag:$0x2], $0x8, s17, s10, $0xb8;
	[tilespmem:$0x52F8] =	vst v63  }
0x2d: {  	s17 =	smov.u32 s16  }
0x2e: {  	p0 =	sne.s32 s16, $0xFFFFFC00;
	s16 =	sadd.s32 $0x400, s16;
	_ =	swait.ge [sflag:s13], $0x3E8  }
0x2f: {  	s17 =	sshra.s32 s17, $0x2;
	[sflag:s13] =	ssyncset.done $0x0  }
.Ltmp2:
0x30: {  	s18 =	sadd.s32 $0x2800, s17;
	[sflag:s13] =	ssyncadd.s32 $0xFFFFFC18;
	(pc) =	sbr.rel @p0 .LBB2_6-.Ltmp2, $4  }
0x31: {  	[spmem:s2] =	stream.indirect.scatter.add.f32 [tilespmem:s11], [sflag:$0x1], $0x8, s18, s10, $0xb8;
	[tilespmem:$0x52F8] =	vst v63  }
0x32: {  	_ =	swait.ge [sflag:s14], $0x3E8  }
0x33: {  	[sflag:s14] =	ssyncset.done $0x0  }
0x34: {  	s17 =	sadd.s32 $0x2880, s17;
	[sflag:s14] =	ssyncadd.s32 $0xFFFFFC18  }
0x35: {  	[spmem:s2] =	stream.indirect.scatter.add.f32 [tilespmem:s11], [sflag:$0x2], $0x8, s17, s10, $0xb8;
	[tilespmem:$0x52F8] =	vst v63  }
0x36: {  	_ =	swait.ge [sflag:s13], $0x3E8  }
0x37: {  	[sflag:s13] =	ssyncset.done $0x0  }
0x38: {  	[sflag:s13] =	ssyncadd.s32 $0xFFFFFC18  }
0x39: {  	_ =	swait.ge [sflag:s14], $0x3E8  }
0x3a: {  	[sflag:s14] =	ssyncset.done $0x0  }
0x3b: {  	[sflag:s14] =	ssyncadd.s32 $0xFFFFFC18  }
0x3c: {  	[bflag:$0x0] =	sbarrier.arrive $0xFFFF  }
0x3d: {  	[tilespmem:s8], [sflag:$0x3] =	stream.linear.gather [spmem:s4], $0x1388, $0x38;
	[tilespmem:$0x52F8] =	vst v63  }
0x3e: {  	s15 =	sadd.s32 $0x1, s15;
	_ =	swait.ge [sflag:s9], $0x1388  }
0x3f: {  	p0 =	sne.s32 s15, s7;
	[sflag:s9] =	ssyncset.done $0x0  }
.Ltmp3:
0x40: {  	[sflag:s9] =	ssyncadd.s32 $0xFFFFEC78;
	(pc) =	sbr.rel @p0 .LBB2_1-.Ltmp3, $4  }
0x41: {  	[hbm4b:s6+s3] =	stream.linear.scatter [tilespmem:s8], [sflag:$0x3], $0x1388, $0x38;
	[tilespmem:$0x52F8] =	vst v63  }
0x42: {  	_ =	swait.ge [sflag:s9], $0x1388  }
0x43: {  	[sflag:s9] =	ssyncset.done $0x0  }
0x44: {  	[sflag:s9] =	ssyncadd.s32 $0xFFFFEC78  }
0x45: {  	_ =	sfence.sel $0x180000  }
0x46: {  	[bflag:$0x0] =	sbarrier.arrive $0xFFFF  }
0x47: {  	p0 =	sne.s32 s0, $0x0;
	_ =	strace $0x90000047  }
0x48: {  	s0 =	sadd.s32 @!p0 $0x100000, s1;
	[bflag:$0x2] =	sbarrier.arrive $0xFFFF  }
0x49: {  	[sflag:s0] =	ssyncadd.tile.s32 @!p0 $0x1;
	_ =	shalt  }
.Lfunc_end2:
_tile_overlayer_lowered:
.L_overlay_start_2:
0x4a: {  	(tag) =	ssettag $0x2  }
0x4b: {  	s0 =	rddreg [dreg:$0x0];
	s2 =	stileid.u32  }
0x4c: {  	s1 =	rddreg [dreg:$0x1];
	p0 =	sne.s32 s2, $0x0  }
0x4d: {  	s3 =	rddreg [dreg:$0x2];
	[bflag:$0x3] =	sbarrier.arrive $0xFFFF;
	s2 =	simm.s32 @!p0 $0x1C03  }
0x4e: {  	[timem:s3], [sflag:s2] =	dma.local @!p0 [hbm:s0], s1  }
0x4f: {  	s0 =	simm.s32 @!p0 $0x3  }
0x50: {  	_ =	swait.ge @!p0 [sflag:s0], s1  }
0x51: {  	s1 =	ssub.s32 @!p0 $0x0, s1;
	[sflag:s0] =	ssyncset.done @!p0 $0x0  }
0x52: {  	[sflag:s0] =	ssyncadd.s32 @!p0 s1  }
0x53: {  	[bflag:$0x3] =	sbarrier.arrive $0xFFFF  }
0x54: {  	_ =	shalt  }

// kernel: kernel.9.cloned.1.call-start
scs
__scs_entry_jumppad:
0x0: {  	(pc) =	sbr.rel $0x88, $3  }
0x1: {  	(tag) =	ssettag $0x0;
	lr =	simm.s32 $0x1  }
0x2: {  	[smem:$0x3F9B] =	sst lr;
	_ =	strace $0xD0000000  }
0x3: {  	_ = 	snop  }
0x4: {  	_ = 	snop  }
0x5: {  	_ = 	snop  }
0x6: {  	_ = 	snop  }
0x7: {  	_ = 	snop  }
__scs_overlays_trampoline_lowered:
0x8: {  	[smem:$0x3FAA] =	sst s0  }
0x9: {  	[smem:$0x3FAB] =	sst s1  }
0xa: {  	[smem:$0x3FAC] =	sst s2  }
0xb: {  	[smem:$0x3FAD] =	sst s3  }
0xc: {  	[smem:$0x3FAE] =	sst s4  }
0xd: {  	[smem:$0x3FAF] =	sst s5  }
0xe: {  	[smem:$0x3FB0] =	sst s6  }
0xf: {  	[smem:$0x3FB1] =	sst s7  }
0x10: {  	[smem:$0x3FB2] =	sst s8  }
0x11: {  	[smem:$0x3FB3] =	sst s9;
	s0 =	simm.s32 @!p0 $0x0  }
0x12: {  	s1 =	sld [smem:$0x3F99];
	s0 =	simm.s32 @p0 $0x1  }
0x13: {  	[smem:$0x3FB4] =	sst s0;
	s0 =	simm.s32 @!p1 $0x0  }
0x14: {  	s2 =	sld [smem:$0x3F98];
	s0 =	simm.s32 @p1 $0x1  }
0x15: {  	[smem:$0x3FB5] =	sst s0;
	s0 =	simm.s32 @!p2 $0x0  }
0x16: {  	s3 =	sld [smem:$0x3FDB];
	s0 =	simm.s32 @p2 $0x1  }
0x17: {  	s4 =	simm.s32 $0x1BF5;
	[smem:$0x3FB7] =	sst s0  }
0x18: {  	s0 =	sld [smem:$0x3F9A];
	_ =	swait.ge [sflag:s4], $0x0  }
0x19: {  	s7 =	sld [smem:$0x3F9B]  }
0x1a: {  	s8 =	sadd.s32 $0xFFFFE003, lr  }
0x1b: {  	s9 =	sadd.s32 $0xFFFFFEF7, lr;
	s5 =	simm.s32 $0xFFFFFFFF;
	p2 =	slt.u32 s8, $0xFFFFF086  }
0x1c: {  	p1 =	slt.u32 s9, $0xF7A;
	s5 =	simm.s32 @!p2 $0x0  }
0x1d: {  	s5 =	simm.s32 @p1 $0x1;
	p0 =	seq.s32 s7, s2  }
0x1e: {  	s7 =	smul.u32 @!p0 $0xF7A, s2;
	p2 =	seq.s32 @!p0 s5, $0x0  }
0x1f: {  	s9 =	smul.u32 $0xF7A, s1;
	s8 =	simm.s32 @!p0 $0x1BF5;
	p2 =	por !p2, p0  }
0x20: {  	[sflag:s8] =	ssyncset.s32 @!p0 $0xFFFFF086;
	s6 =	sadd.s32 @!p0 s3, s7;
	s7 =	simm.s32 @!p0 $0x108  }
0x21: {  	s3 =	sadd.s32 s3, s9;
	s6 =	sadd.s32 @!p0 $0x88, s6;
	s7 =	simm.s32 @p2 $0x1082  }
0x22: {  	[simem:s7], [sflag:s8] =	dma.local @!p0 [hbm:s6], $0xF7A  }
0x23: {  	s9 =	sor.u32 $0xD0000000, s2;
	s6 =	simm.s32 $0x108;
	_ =	swait.ge @!p0 [sflag:s8], $0x0  }
0x24: {  	s3 =	sadd.s32 $0x88, s3;
	s6 =	simm.s32 @!p1 $0x1082;
	[sflag:s4] =	ssyncset.s32 $0xFFFFF086  }
0x25: {  	[simem:s6], [sflag:s4] =	dma.local [hbm:s3], $0xF7A  }
0x26: {  	[smem:$0x3F9B] =	sst s1;
	(tag) =	ssettag s2;
	_ =	strace s9  }
0x27: {  	s1 =	sld [smem:$0x3FAB]  }
0x28: {  	s2 =	sld [smem:$0x3FAC]  }
0x29: {  	s4 =	sld [smem:$0x3FAE]  }
0x2a: {  	p0 =	seq.s32 s5, $0x0;
	s5 =	sld [smem:$0x3FAF]  }
0x2b: {  	s6 =	sld [smem:$0x3FB0]  }
0x2c: {  	s7 =	sld [smem:$0x3FB1]  }
0x2d: {  	s3 =	simm.s32 $0x108;
	s8 =	sld [smem:$0x3FB2]  }
0x2e: {  	s3 =	simm.s32 @!p0 $0x1082;
	s9 =	sld [smem:$0x3FB3]  }
0x2f: {  	lr =	sadd.s32 s0, s3;
	s0 =	sld [smem:$0x3FAA]  }
0x30: {  	s3 =	sld [smem:$0x3FAD]  }
0x31: {  	[smem:$0x3FB6] =	sst s10  }
0x32: {  	s10 =	sld [smem:$0x3FB4];
	_ =	sdelay $0x3  }
0x33: {  	p0 =	seq.s32 s10, $0x1;
	s10 =	sld [smem:$0x3FB6];
	_ =	sdelay $0x3  }
0x34: {  	[smem:$0x3FB6] =	sst s10  }
0x35: {  	s10 =	sld [smem:$0x3FB5];
	_ =	sdelay $0x3  }
0x36: {  	p1 =	seq.s32 s10, $0x1;
	s10 =	sld [smem:$0x3FB6];
	_ =	sdelay $0x3  }
0x37: {  	[smem:$0x3FB6] =	sst s10  }
0x38: {  	s10 =	sld [smem:$0x3FB7]  }
0x39: {  	_ = 	snop;
	(pc) =	sbr.ind lr, $3  }
0x3a: {  	_ = 	snop  }
0x3b: {  	_ = 	snop  }
0x3c: {  	p2 =	seq.s32 s10, $0x1;
	s10 =	sld [smem:$0x3FB6]  }
0x3d: {  	_ =	shalt  }
0x3e: {  	_ =	shalt  }
0x3f: {  	_ =	shalt  }
0x40: {  	_ =	shalt  }
0x41: {  	_ =	shalt  }
0x42: {  	_ =	shalt  }
0x43: {  	_ =	shalt  }
0x44: {  	_ =	shalt  }
0x45: {  	_ =	shalt  }
0x46: {  	_ =	shalt  }
0x47: {  	_ =	shalt  }
0x48: {  	_ =	shalt  }
0x49: {  	_ =	shalt  }
0x4a: {  	_ =	shalt  }
0x4b: {  	_ =	shalt  }
0x4c: {  	_ =	shalt  }
0x4d: {  	_ =	shalt  }
0x4e: {  	_ =	shalt  }
0x4f: {  	_ =	shalt  }
0x50: {  	_ =	shalt  }
0x51: {  	_ =	shalt  }
0x52: {  	_ =	shalt  }
0x53: {  	_ =	shalt  }
0x54: {  	_ =	shalt  }
0x55: {  	_ =	shalt  }
0x56: {  	_ =	shalt  }
0x57: {  	_ =	shalt  }
0x58: {  	_ =	shalt  }
0x59: {  	_ =	shalt  }
0x5a: {  	_ =	shalt  }
0x5b: {  	_ =	shalt  }
0x5c: {  	_ =	shalt  }
0x5d: {  	_ =	shalt  }
0x5e: {  	_ =	shalt  }
0x5f: {  	_ =	shalt  }
0x60: {  	_ =	shalt  }
0x61: {  	_ =	shalt  }
0x62: {  	_ =	shalt  }
0x63: {  	_ =	shalt  }
0x64: {  	_ =	shalt  }
0x65: {  	_ =	shalt  }
0x66: {  	_ =	shalt  }
0x67: {  	_ =	shalt  }
0x68: {  	_ =	shalt  }
0x69: {  	_ =	shalt  }
0x6a: {  	_ =	shalt  }
0x6b: {  	_ =	shalt  }
0x6c: {  	_ =	shalt  }
0x6d: {  	_ =	shalt  }
0x6e: {  	_ =	shalt  }
0x6f: {  	_ =	shalt  }
0x70: {  	_ =	shalt  }
0x71: {  	_ =	shalt  }
0x72: {  	_ =	shalt  }
0x73: {  	_ =	shalt  }
0x74: {  	_ =	shalt  }
0x75: {  	_ =	shalt  }
0x76: {  	_ =	shalt  }
0x77: {  	_ =	shalt  }
0x78: {  	_ =	shalt  }
0x79: {  	_ =	shalt  }
0x7a: {  	_ =	shalt  }
0x7b: {  	_ =	shalt  }
0x7c: {  	_ =	shalt  }
0x7d: {  	_ =	shalt  }
0x7e: {  	_ =	shalt  }
0x7f: {  	_ =	shalt  }
0x80: {  	_ =	shalt  }
0x81: {  	_ =	shalt  }
0x82: {  	_ =	shalt  }
0x83: {  	_ =	shalt  }
0x84: {  	_ =	shalt  }
0x85: {  	_ =	shalt  }
0x86: {  	_ =	shalt  }
0x87: {  	_ =	shalt  }
.Lfunc_end0:
.L_simem_size_0:
called_computation.1_lowered:
.L_overlay_start_0:
0x88: {  	s2 =	sld [smem:$0x3FD9]  }
0x89: {  	s3 =	sld [smem:$0x3FFE];
	_ =	sdelay $0x1  }
0x8a: {  	s1 =	srdreg.scid  }
0x8b: {  	s0 =	sand.u32 $0x1, s1  }
0x8c: {  	s17 =	sshll.u32 s0, $0xA;
	s2 =	sadd.s32 s3, s2  }
0x8d: {  	s2 =	sadd.s32 s2, s17  }
0x8e: {  	[smem:$0x3FC2] =	sst s2  }
0x8f: {  	_ = 	snop  }
0x90: {  	s2 =	sld [smem:$0x3FD0];
	(tm) =	ssettm $0x1  }
0x91: {  	s18 =	sld [smem:$0x3FFB];
	_ =	sdelay $0x3  }
0x92: {  	_ =	strace s18  }
0x93: {  	s3 =	sld [smem:$0x3FFC];
	_ =	sdelay $0x3  }
0x94: {  	_ =	strace s3  }
0x95: {  	s3 =	sld [smem:$0x3FFD];
	_ =	sdelay $0x3  }
0x96: {  	_ =	strace s3  }
0x97: {  	_ =	strace $0x8FFFFFFF  }
0x98: {  	s19 =	sld [smem:$0x3FDB];
	_ =	sdelay $0x1  }
0x99: {  	s4 =	simm.s32 $_scs_section_size  }
0x9a: {  	s5 =	simm.s32 $_size__tile_overlayer_lowered;
	s6 =	simm.s32 $_tile_overlayer_lowered  }
0x9b: {  	s22 =	simm.s32 $0x1BFF;
	s21 =	sshll.u32 s6, $0x1;
	s3 =	sadd.s32 s4, s19  }
0x9c: {  	s7 =	simm.s32 $0x0;
	s20 =	sshll.u32 s5, $0x1;
	s5 =	sadd.s32 s21, s3  }
0x9d: {  	[timem:s7], [sflag:s22] =	dma.local [hbm:s5], s20  }
0x9e: {  	_ =	swait.ge [sflag:s22], s20  }
0x9f: {  	s4 =	ssub.s32 $0x0, s20;
	[sflag:s22] =	ssyncset.done $0x0  }
0xa0: {  	[sflag:s22] =	ssyncadd.s32 s4;
	_ =	sdelay $0x1  }
0xa1: {  	s23 =	simm.s32 $0x1B8B  }
0xa2: {  	_ =	swait.ge [sflag:s23], $0x1  }
0xa3: {  	[sflag:s23] =	ssyncset.done $0x0  }
0xa4: {  	s25 =	simm.s32 $0x1B8E;
	s24 =	sld [smem:$0x3FFE];
	[sflag:s23] =	ssyncadd.s32 $0xFFFFFFFF  }
0xa5: {  	s26 =	simm.s32 $execute0_lowered;
	[smem:$0x3FD2] =	sst s25  }
0xa6: {  	s5 =	sshll.u32 s26, $0x1;
	_ =	strace $0x80000049;
	[dreg:$0x1] =	wrdreg $0xFFFFFFFF  }
0xa7: {  	s28 =	simm.s32 $_size_execute0_lowered;
	s3 =	sadd.s32 s3, s5;
	[dreg:$0x0] =	wrdreg $0x0  }
0xa8: {  	s5 =	sshll.u32 s28, $0x1;
	[dreg:$0x2] =	wrdreg s3  }
0xa9: {  	[dreg:$0x3] =	wrdreg s5  }
0xaa: {  	[dreg:$0x4] =	wrdreg $0xC0  }
0xab: {  	_ =	task [dreg:s7], $0x5FFFF  }
0xac: {  	[dreg:$0x1] =	wrdreg $0xFFFFFFFF  }
0xad: {  	[dreg:$0x0] =	wrdreg $0x60  }
0xae: {  	[dreg:$0x2] =	wrdreg s24  }
0xaf: {  	[dreg:$0x3] =	wrdreg s2  }
0xb0: {  	[dreg:$0x4] =	wrdreg $0x12AC00  }
0xb1: {  	[dreg:$0x5] =	wrdreg $0x8E800  }
0xb2: {  	[dreg:$0x6] =	wrdreg $0x9  }
0xb3: {  	_ =	task.clear_ibuf [dreg:s7], $0x7FFFF;
	_ =	strace $0x90000049  }
0xb4: {  	s29 =	simm.s32 $0x9;
	_ =	strace $0x8000004B  }
0xb5: {  	_ =	swait.ge [sflag:s29], $0x1  }
0xb6: {  	[sflag:s29] =	ssyncadd.s32 $0xFFFFFFFF  }
0xb7: {  	_ =	strace $0x9000004B  }
0xb8: {  	_ =	sfence  }
0xb9: {  	s30 =	sld [smem:$0x0];
	_ =	sdelay $0x2  }
0xba: {  	s31 =	sshll.u32 s1, $0xD;
	s1 =	sshrl.u32 s1, $0x2  }
0xbb: {  	s3 =	sand.u32 $0x4000, s31;
	s1 =	sadd.s32 s1, s30  }
0xbc: {  	s0 =	sor.u32 s3, s0;
	s1 =	sshll.u32 s1, $0x11  }
0xbd: {  	s0 =	sor.u32 s1, s0  }
0xbe: {  	s0 =	sadd.s32 $0x8F2B, s0  }
0xbf: {  	[sflag:s0] =	ssyncadd.remote.s32 $0x1  }
0xc0: {  	_ =	sfence.sel $0xFFFF  }
0xc1: {  	[dreg:$0x0] =	wrdreg $0xFFFFFFFF;
	(pc) =	sbr.abs _section_cstart, $3  }
0xc2: {  	[dreg:$0x1] =	wrdreg $0xFFFFFFFF  }
0xc3: {  	_ =	task.clear_ibuf [dreg:s7], $0x2FFFF;
	_ =	strace $0x9FFFFFFF  }
0xc4: {  	(tm) =	ssettm $0x7FFFFFFF  }
0xc5: {  	_ =	shalt  }
tec
execute0_lowered:
.L_overlay_start_1:
0x0: {  	(tag) =	ssettag $0x1  }
0x1: {  	s0 =	rddreg [dreg:$0x0]  }
0x2: {  	s1 =	rddreg [dreg:$0x1]  }
0x3: {  	s2 =	rddreg [dreg:$0x2]  }
0x4: {  	s3 =	rddreg [dreg:$0x3];
	s9 =	stileid.u32  }
0x5: {  	s4 =	srdreg.scid;
	s6 =	simm.s32 $0x0;
	s18 =	simm.s32 $0x5  }
0x6: {  	s28 =	simm.s32 $0x3;
	s29 =	simm.s32 $0x2;
	s5 =	smul.u32 $0x13880, s9  }
0x7: {  	s30 =	simm.s32 $0x4;
	s31 =	simm.s32 $0x4F00;
	s20 =	smul.u32 $0x27100, s9  }
0x8: {  	s4 =	sand.u32 $0x1, s4;
	[smem:$0x7FF] =	sst s6;
	s13 =	smul.u32 $0x9C40, s9  }
0x9: {  	s19 =	sshll.u32 s4, $0x4;
	s7 =	smul.u32 $0x138800, s4;
	_ =	strace $0x8000004A  }
0xa: {  	s4 =	ssub.s32 $0x2, s4;
	s6 =	sor.u32 s9, s19;
	s8 =	sshrl.u32 s5, $0x3  }
0xb: {  	s22 =	sshrl.u32 s4, $0x1;
	s25 =	sadd.s32 s13, s3;
	s19 =	simm.s32 $0x0  }
0xc: {  	s6 =	smul.u32 $0x500, s6;
	s5 =	sadd.s32 s5, s7;
	s12 =	sadd.s32 s8, s0  }
0xd: {  	s7 =	sshrl.u32 s20, $0x2;
	s4 =	ssub.s32 s4, s22;
	[dreg:$0x7] =	wrdreg s25  }
0xe: {  	s20 =	simm.s32 $0x5000;
	s22 =	simm.s32 $0x8;
	s25 =	simm.s32 $0x80  }
0xf: {  	s5 =	sshrl.u32 s5, $0x3;
	s24 =	sadd.s32 s7, s2;
	s7 =	sadd.s32 s13, s2  }
0x10: {  	s26 =	sadd.s32 $0x5F000, s12;
	s15 =	sadd.s32 $0x5F008, s12;
	s17 =	smax.u32 s4, $0x1  }
0x11: {  	s21 =	sadd.s32 s6, s0;
	s0 =	sadd.s32 s5, s0;
	s1 =	sadd.s32 s1, s6  }
0x12: {  	s8 =	sadd.s32 $0x1F40, s24;
	s9 =	sadd.s32 $0x3E80, s24;
	s10 =	sadd.s32 $0x5DC0, s24  }
0x13: {  	s11 =	sadd.s32 $0x7D00, s24;
	[dreg:$0x8] =	wrdreg s26;
	s24 =	simm.s32 $0x7D  }
0x14: {  	s26 =	simm.s32 $0x6F40;
	s23 =	sadd.s32 $0x6E00, s21;
	[dreg:$0x6] =	wrdreg s1  }
0x15: {  	s14 =	sadd.s32 $0x86200, s0;
	s16 =	sadd.s32 $0x86208, s0;
	s21 =	simm.s32 $0x1  }
0x16: {  	v0 =	vimm.f32 $0.0e+00;
	s0 =	simm.s32 $0x4F80;
	[dreg:$0x5] =	wrdreg s23;
	s23 =	simm.s32 $0x10  }
.LBB2_1:
0x17: {  	s1 =	simm.s32 $0x0;
	s4 =	rddreg [dreg:$0x5]  }
0x18: {  	[tilespmem:s1], [sflag:$0x5] =	stream.linear.gather [hbm4b:s4+s1], $0x2800, $0x38;
	[tilespmem:$0x1C700] =	vst v63  }
0x19: {  	_ =	swait.ge [sflag:s18], $0x2800  }
0x1a: {  	[sflag:s18] =	ssyncset.done $0x0  }
0x1b: {  	s5 =	simm.s32 $0x2800;
	s13 =	rddreg [dreg:$0x6];
	[sflag:s18] =	ssyncadd.s32 $0xFFFFD800  }
0x1c: {  	[tilespmem:s5], [sflag:$0x5] =	stream.linear.gather [hbm4b:s13+s1], $0x2800, $0x38;
	[tilespmem:$0x1C700] =	vst v63  }
0x1d: {  	_ =	swait.ge [sflag:s18], $0x2800  }
0x1e: {  	[sflag:s18] =	ssyncset.done $0x0  }
0x1f: {  	s4 =	simm.s32 $0x100;
	s1 =	simm.s32 $0x0;
	[sflag:s18] =	ssyncadd.s32 $0xFFFFD800  }
.LBB2_2:
0x20: {  	p0 =	sne.s32 s4, $0x7C00;
	[tilespmem:s1+$0x5030] =	vst v0;
	s5 =	smov.u32 s4;
	s4 =	sadd.s32 $0x100, s4  }
.Ltmp0:
0x21: {  	[tilespmem:s1+$0x5020] =	vst v0;
	(pc) =	sbr.rel @p0 .LBB2_2-.Ltmp0, $3  }
0x22: {  	[tilespmem:s1+$0x5000] =	vst v0  }
0x23: {  	[tilespmem:s1+$0x5010] =	vst v0;
	_ =	sdelay $0x1  }
0x24: {  	s1 =	sshra.s32 s5, $0x2  }
0x25: {  	[tilespmem:s1+$0x5030] =	vst v0  }
0x26: {  	[tilespmem:s1+$0x5020] =	vst v0  }
0x27: {  	[tilespmem:s1+$0x5000] =	vst v0  }
0x28: {  	[tilespmem:s1+$0x5010] =	vst v0  }
0x29: {  	[spmem:s7] =	stream.linear.scatter [tilespmem:s20], [sflag:$0x5], $0x1F40, $0x38;
	[tilespmem:$0x1C700] =	vst v63  }
0x2a: {  	_ =	swait.ge [sflag:s18], $0x1F40  }
0x2b: {  	[sflag:s18] =	ssyncset.done $0x0  }
0x2c: {  	[sflag:s18] =	ssyncadd.s32 $0xFFFFE0C0  }
0x2d: {  	[spmem:s8] =	stream.linear.scatter [tilespmem:s20], [sflag:$0x5], $0x1F40, $0x38;
	[tilespmem:$0x1C700] =	vst v63  }
0x2e: {  	_ =	swait.ge [sflag:s18], $0x1F40  }
0x2f: {  	[sflag:s18] =	ssyncset.done $0x0  }
0x30: {  	[sflag:s18] =	ssyncadd.s32 $0xFFFFE0C0  }
0x31: {  	[spmem:s9] =	stream.linear.scatter [tilespmem:s20], [sflag:$0x5], $0x1F40, $0x38;
	[tilespmem:$0x1C700] =	vst v63  }
0x32: {  	_ =	swait.ge [sflag:s18], $0x1F40  }
0x33: {  	[sflag:s18] =	ssyncset.done $0x0  }
0x34: {  	[sflag:s18] =	ssyncadd.s32 $0xFFFFE0C0  }
0x35: {  	[spmem:s10] =	stream.linear.scatter [tilespmem:s20], [sflag:$0x5], $0x1F40, $0x38;
	[tilespmem:$0x1C700] =	vst v63  }
0x36: {  	_ =	swait.ge [sflag:s18], $0x1F40  }
0x37: {  	[sflag:s18] =	ssyncset.done $0x0  }
0x38: {  	s12 =	stileid.u32;
	[sflag:s18] =	ssyncadd.s32 $0xFFFFE0C0  }
0x39: {  	[spmem:s11] =	stream.linear.scatter [tilespmem:s20], [sflag:$0x5], $0x1F40, $0x38;
	[tilespmem:$0x1C700] =	vst v63  }
0x3a: {  	s1 =	sshll.u32 s12, $0x6;
	_ =	swait.ge [sflag:s18], $0x1F40  }
0x3b: {  	s1 =	sor.u32 $0x1C05, s1;
	[sflag:s18] =	ssyncset.done $0x0;
	s4 =	rddreg [dreg:$0x7]  }
0x3c: {  	s5 =	rddreg [dreg:$0x8];
	[sflag:s18] =	ssyncadd.s32 $0xFFFFE0C0;
	s4 =	sshrl.u32 s4, $0x3  }
0x3d: {  	[spmem:s4@s22], [sflag:s1] =	dma.strided [hbm:s5@s23], $0x1388, s21, $0x8   }
0x3e: {  	_ =	swait.ge [sflag:s18], $0x1388  }
0x3f: {  	[sflag:s18] =	ssyncset.done $0x0  }
0x40: {  	[sflag:s18] =	ssyncadd.s32 $0xFFFFEC78  }
0x41: {  	s13 =	simm.s32 $0x0;
	[bflag:$0x0] =	sbarrier.arrive $0xFFFF  }
0x42: {  	[tilespmem:s20], [sflag:$0x1] =	stream.indirect.gather [spmem:s3], $0x40, s13, s24, $0xb8;
	[tilespmem:$0x1C700] =	vst v63  }
0x43: {  	_ = 	snop  }
0x44: {  	[tilespmem:s26], [sflag:$0x2] =	stream.indirect.gather [spmem:s3], $0x40, s25, s24, $0xb8;
	[tilespmem:$0x1C700] =	vst v63  }
0x45: {  	_ =	swait.ge [sflag:s21], $0x1F40  }
0x46: {  	[sflag:s21] =	ssyncset.done $0x0  }
0x47: {  	s6 =	simm.s32 $0x2800;
	[sflag:s21] =	ssyncadd.s32 $0xFFFFE0C0  }
0x48: {  	[spmem:s2] =	stream.indirect.scatter.add.f32 [tilespmem:s20], [sflag:$0x3], $0x40, s6, s24, $0xb8;
	[tilespmem:$0x1C700] =	vst v63  }
0x49: {  	_ =	swait.ge [sflag:s28], $0x1F40  }
0x4a: {  	[sflag:s28] =	ssyncset.done $0x0  }
0x4b: {  	s12 =	simm.s32 $0x100;
	[sflag:s28] =	ssyncadd.s32 $0xFFFFE0C0  }
0x4c: {  	[tilespmem:s20], [sflag:$0x1] =	stream.indirect.gather [spmem:s3], $0x40, s12, s24, $0xb8;
	[tilespmem:$0x1C700] =	vst v63  }
0x4d: {  	_ =	swait.ge [sflag:s29], $0x1F40  }
0x4e: {  	[sflag:s29] =	ssyncset.done $0x0  }
0x4f: {  	s13 =	simm.s32 $0x2880;
	[sflag:s29] =	ssyncadd.s32 $0xFFFFE0C0  }
0x50: {  	[spmem:s2] =	stream.indirect.scatter.add.f32 [tilespmem:s26], [sflag:$0x4], $0x40, s13, s24, $0xb8;
	[tilespmem:$0x1C700] =	vst v63  }
0x51: {  	_ =	swait.ge [sflag:s30], $0x1F40  }
0x52: {  	[sflag:s30] =	ssyncset.done $0x0  }
0x53: {  	s5 =	simm.s32 $0x400;
	s6 =	simm.s32 $0x180;
	[sflag:s30] =	ssyncadd.s32 $0xFFFFE0C0  }
.LBB2_4:
0x54: {  	[tilespmem:s26], [sflag:$0x2] =	stream.indirect.gather [spmem:s3], $0x40, s6, s24, $0xb8;
	[tilespmem:$0x1C700] =	vst v63  }
0x55: {  	s6 =	smov.u32 s5  }
0x56: {  	p0 =	sne.s32 s5, $0x9800;
	s5 =	sadd.s32 $0x400, s5;
	_ =	swait.ge [sflag:s21], $0x1F40  }
0x57: {  	s6 =	sshra.s32 s6, $0x2;
	[sflag:s21] =	ssyncset.done $0x0  }
0x58: {  	s12 =	sadd.s32 $0x2800, s6;
	[sflag:s21] =	ssyncadd.s32 $0xFFFFE0C0  }
0x59: {  	[spmem:s2] =	stream.indirect.scatter.add.f32 [tilespmem:s20], [sflag:$0x3], $0x40, s12, s24, $0xb8;
	[tilespmem:$0x1C700] =	vst v63  }
0x5a: {  	_ =	swait.ge [sflag:s28], $0x1F40  }
0x5b: {  	[sflag:s28] =	ssyncset.done $0x0  }
0x5c: {  	s12 =	sadd.s32 $0x100, s6;
	[sflag:s28] =	ssyncadd.s32 $0xFFFFE0C0  }
0x5d: {  	[tilespmem:s20], [sflag:$0x1] =	stream.indirect.gather [spmem:s3], $0x40, s12, s24, $0xb8;
	[tilespmem:$0x1C700] =	vst v63  }
0x5e: {  	_ =	swait.ge [sflag:s29], $0x1F40  }
0x5f: {  	[sflag:s29] =	ssyncset.done $0x0  }
.Ltmp1:
0x60: {  	s12 =	sadd.s32 $0x2880, s6;
	[sflag:s29] =	ssyncadd.s32 $0xFFFFE0C0;
	(pc) =	sbr.rel @p0 .LBB2_4-.Ltmp1, $4  }
0x61: {  	[spmem:s2] =	stream.indirect.scatter.add.f32 [tilespmem:s26], [sflag:$0x4], $0x40, s12, s24, $0xb8;
	[tilespmem:$0x1C700] =	vst v63  }
0x62: {  	_ =	swait.ge [sflag:s30], $0x1F40  }
0x63: {  	[sflag:s30] =	ssyncset.done $0x0  }
0x64: {  	s6 =	sadd.s32 $0x180, s6;
	[sflag:s30] =	ssyncadd.s32 $0xFFFFE0C0  }
0x65: {  	[tilespmem:s26], [sflag:$0x2] =	stream.indirect.gather [spmem:s3], $0x40, s6, s24, $0xb8;
	[tilespmem:$0x1C700] =	vst v63  }
0x66: {  	_ =	swait.ge [sflag:s21], $0x1F40  }
0x67: {  	[sflag:s21] =	ssyncset.done $0x0  }
0x68: {  	[sflag:s21] =	ssyncadd.s32 $0xFFFFE0C0  }
0x69: {  	[spmem:s2] =	stream.indirect.scatter.add.f32 [tilespmem:s20], [sflag:$0x3], $0x40, s31, s24, $0xb8;
	[tilespmem:$0x1C700] =	vst v63  }
0x6a: {  	_ =	swait.ge [sflag:s29], $0x1F40  }
0x6b: {  	[sflag:s29] =	ssyncset.done $0x0  }
0x6c: {  	[sflag:s29] =	ssyncadd.s32 $0xFFFFE0C0  }
0x6d: {  	[spmem:s2] =	stream.indirect.scatter.add.f32 [tilespmem:s26], [sflag:$0x4], $0x40, s0, s24, $0xb8;
	[tilespmem:$0x1C700] =	vst v63  }
0x6e: {  	_ =	swait.ge [sflag:s28], $0x1F40  }
0x6f: {  	[sflag:s28] =	ssyncset.done $0x0  }
0x70: {  	[sflag:s28] =	ssyncadd.s32 $0xFFFFE0C0  }
0x71: {  	_ =	swait.ge [sflag:s30], $0x1F40  }
0x72: {  	[sflag:s30] =	ssyncset.done $0x0  }
0x73: {  	[sflag:s30] =	ssyncadd.s32 $0xFFFFE0C0  }
0x74: {  	s5 =	sshrl.u32 s7, $0x3;
	[bflag:$0x0] =	sbarrier.arrive $0xFFFF  }
0x75: {  	[hbm:s14@s23], [sflag:s1] =	dma.strided [spmem:s5@s22], $0x1388, s21, $0x8   }
0x76: {  	_ =	swait.ge [sflag:s18], $0x1388  }
0x77: {  	[sflag:s18] =	ssyncset.done $0x0  }
0x78: {  	[sflag:s18] =	ssyncadd.s32 $0xFFFFEC78  }
0x79: {  	s12 =	simm.s32 $0x100;
	s6 =	simm.s32 $0x0;
	[bflag:$0x0] =	sbarrier.arrive $0xFFFF  }
.LBB2_6:
0x7a: {  	p0 =	sne.s32 s12, $0x7C00;
	[tilespmem:s6+$0x5030] =	vst v0;
	s13 =	smov.u32 s12;
	s12 =	sadd.s32 $0x100, s12  }
.Ltmp2:
0x7b: {  	[tilespmem:s6+$0x5020] =	vst v0;
	(pc) =	sbr.rel @p0 .LBB2_6-.Ltmp2, $3  }
0x7c: {  	[tilespmem:s6+$0x5000] =	vst v0  }
0x7d: {  	[tilespmem:s6+$0x5010] =	vst v0;
	_ =	sdelay $0x1  }
0x7e: {  	s6 =	sshra.s32 s13, $0x2  }
0x7f: {  	[tilespmem:s6+$0x5030] =	vst v0  }
0x80: {  	[tilespmem:s6+$0x5020] =	vst v0  }
0x81: {  	[tilespmem:s6+$0x5000] =	vst v0  }
0x82: {  	[tilespmem:s6+$0x5010] =	vst v0  }
0x83: {  	[spmem:s7] =	stream.linear.scatter [tilespmem:s20], [sflag:$0x5], $0x1F40, $0x38;
	[tilespmem:$0x1C700] =	vst v63  }
0x84: {  	_ =	swait.ge [sflag:s18], $0x1F40  }
0x85: {  	[sflag:s18] =	ssyncset.done $0x0  }
0x86: {  	[sflag:s18] =	ssyncadd.s32 $0xFFFFE0C0  }
0x87: {  	[spmem:s8] =	stream.linear.scatter [tilespmem:s20], [sflag:$0x5], $0x1F40, $0x38;
	[tilespmem:$0x1C700] =	vst v63  }
0x88: {  	_ =	swait.ge [sflag:s18], $0x1F40  }
0x89: {  	[sflag:s18] =	ssyncset.done $0x0  }
0x8a: {  	[sflag:s18] =	ssyncadd.s32 $0xFFFFE0C0  }
0x8b: {  	[spmem:s9] =	stream.linear.scatter [tilespmem:s20], [sflag:$0x5], $0x1F40, $0x38;
	[tilespmem:$0x1C700] =	vst v63  }
0x8c: {  	_ =	swait.ge [sflag:s18], $0x1F40  }
0x8d: {  	[sflag:s18] =	ssyncset.done $0x0  }
0x8e: {  	[sflag:s18] =	ssyncadd.s32 $0xFFFFE0C0  }
0x8f: {  	[spmem:s10] =	stream.linear.scatter [tilespmem:s20], [sflag:$0x5], $0x1F40, $0x38;
	[tilespmem:$0x1C700] =	vst v63  }
0x90: {  	_ =	swait.ge [sflag:s18], $0x1F40  }
0x91: {  	[sflag:s18] =	ssyncset.done $0x0  }
0x92: {  	[sflag:s18] =	ssyncadd.s32 $0xFFFFE0C0  }
0x93: {  	[spmem:s11] =	stream.linear.scatter [tilespmem:s20], [sflag:$0x5], $0x1F40, $0x38;
	[tilespmem:$0x1C700] =	vst v63  }
0x94: {  	_ =	swait.ge [sflag:s18], $0x1F40  }
0x95: {  	[sflag:s18] =	ssyncset.done $0x0  }
0x96: {  	[sflag:s18] =	ssyncadd.s32 $0xFFFFE0C0  }
0x97: {  	[spmem:s4@s22], [sflag:s1] =	dma.strided [hbm:s15@s23], $0x1388, s21, $0x8   }
0x98: {  	_ =	swait.ge [sflag:s18], $0x1388  }
0x99: {  	[sflag:s18] =	ssyncset.done $0x0  }
0x9a: {  	[sflag:s18] =	ssyncadd.s32 $0xFFFFEC78  }
0x9b: {  	s13 =	simm.s32 $0x0;
	[bflag:$0x0] =	sbarrier.arrive $0xFFFF  }
0x9c: {  	[tilespmem:s20], [sflag:$0x1] =	stream.indirect.gather [spmem:s3], $0x40, s13, s24, $0xb8;
	[tilespmem:$0x1C700] =	vst v63  }
0x9d: {  	_ = 	snop  }
0x9e: {  	[tilespmem:s26], [sflag:$0x2] =	stream.indirect.gather [spmem:s3], $0x40, s25, s24, $0xb8;
	[tilespmem:$0x1C700] =	vst v63  }
0x9f: {  	_ =	swait.ge [sflag:s21], $0x1F40  }
0xa0: {  	[sflag:s21] =	ssyncset.done $0x0  }
0xa1: {  	s6 =	simm.s32 $0x2800;
	[sflag:s21] =	ssyncadd.s32 $0xFFFFE0C0  }
0xa2: {  	[spmem:s2] =	stream.indirect.scatter.add.f32 [tilespmem:s20], [sflag:$0x3], $0x40, s6, s24, $0xb8;
	[tilespmem:$0x1C700] =	vst v63  }
0xa3: {  	_ =	swait.ge [sflag:s28], $0x1F40  }
0xa4: {  	[sflag:s28] =	ssyncset.done $0x0  }
0xa5: {  	s12 =	simm.s32 $0x100;
	[sflag:s28] =	ssyncadd.s32 $0xFFFFE0C0  }
0xa6: {  	[tilespmem:s20], [sflag:$0x1] =	stream.indirect.gather [spmem:s3], $0x40, s12, s24, $0xb8;
	[tilespmem:$0x1C700] =	vst v63  }
0xa7: {  	_ =	swait.ge [sflag:s29], $0x1F40  }
0xa8: {  	[sflag:s29] =	ssyncset.done $0x0  }
0xa9: {  	s13 =	simm.s32 $0x2880;
	[sflag:s29] =	ssyncadd.s32 $0xFFFFE0C0  }
0xaa: {  	[spmem:s2] =	stream.indirect.scatter.add.f32 [tilespmem:s26], [sflag:$0x4], $0x40, s13, s24, $0xb8;
	[tilespmem:$0x1C700] =	vst v63  }
0xab: {  	_ =	swait.ge [sflag:s30], $0x1F40  }
0xac: {  	[sflag:s30] =	ssyncset.done $0x0  }
0xad: {  	s4 =	simm.s32 $0x400;
	s6 =	simm.s32 $0x180;
	[sflag:s30] =	ssyncadd.s32 $0xFFFFE0C0  }
.LBB2_8:
0xae: {  	[tilespmem:s26], [sflag:$0x2] =	stream.indirect.gather [spmem:s3], $0x40, s6, s24, $0xb8;
	[tilespmem:$0x1C700] =	vst v63  }
0xaf: {  	s6 =	smov.u32 s4  }
0xb0: {  	p0 =	sne.s32 s4, $0x9800;
	s4 =	sadd.s32 $0x400, s4;
	_ =	swait.ge [sflag:s21], $0x1F40  }
0xb1: {  	s6 =	sshra.s32 s6, $0x2;
	[sflag:s21] =	ssyncset.done $0x0  }
0xb2: {  	s12 =	sadd.s32 $0x2800, s6;
	[sflag:s21] =	ssyncadd.s32 $0xFFFFE0C0  }
0xb3: {  	[spmem:s2] =	stream.indirect.scatter.add.f32 [tilespmem:s20], [sflag:$0x3], $0x40, s12, s24, $0xb8;
	[tilespmem:$0x1C700] =	vst v63  }
0xb4: {  	_ =	swait.ge [sflag:s28], $0x1F40  }
0xb5: {  	[sflag:s28] =	ssyncset.done $0x0  }
0xb6: {  	s12 =	sadd.s32 $0x100, s6;
	[sflag:s28] =	ssyncadd.s32 $0xFFFFE0C0  }
0xb7: {  	[tilespmem:s20], [sflag:$0x1] =	stream.indirect.gather [spmem:s3], $0x40, s12, s24, $0xb8;
	[tilespmem:$0x1C700] =	vst v63  }
0xb8: {  	_ =	swait.ge [sflag:s29], $0x1F40  }
0xb9: {  	[sflag:s29] =	ssyncset.done $0x0  }
.Ltmp3:
0xba: {  	s12 =	sadd.s32 $0x2880, s6;
	[sflag:s29] =	ssyncadd.s32 $0xFFFFE0C0;
	(pc) =	sbr.rel @p0 .LBB2_8-.Ltmp3, $4  }
0xbb: {  	[spmem:s2] =	stream.indirect.scatter.add.f32 [tilespmem:s26], [sflag:$0x4], $0x40, s12, s24, $0xb8;
	[tilespmem:$0x1C700] =	vst v63  }
0xbc: {  	_ =	swait.ge [sflag:s30], $0x1F40  }
0xbd: {  	[sflag:s30] =	ssyncset.done $0x0  }
0xbe: {  	s6 =	sadd.s32 $0x180, s6;
	[sflag:s30] =	ssyncadd.s32 $0xFFFFE0C0  }
0xbf: {  	[tilespmem:s26], [sflag:$0x2] =	stream.indirect.gather [spmem:s3], $0x40, s6, s24, $0xb8;
	[tilespmem:$0x1C700] =	vst v63  }
0xc0: {  	_ =	swait.ge [sflag:s21], $0x1F40  }
0xc1: {  	[sflag:s21] =	ssyncset.done $0x0  }
0xc2: {  	[sflag:s21] =	ssyncadd.s32 $0xFFFFE0C0  }
0xc3: {  	[spmem:s2] =	stream.indirect.scatter.add.f32 [tilespmem:s20], [sflag:$0x3], $0x40, s31, s24, $0xb8;
	[tilespmem:$0x1C700] =	vst v63  }
0xc4: {  	_ =	swait.ge [sflag:s29], $0x1F40  }
0xc5: {  	[sflag:s29] =	ssyncset.done $0x0  }
0xc6: {  	[sflag:s29] =	ssyncadd.s32 $0xFFFFE0C0  }
0xc7: {  	[spmem:s2] =	stream.indirect.scatter.add.f32 [tilespmem:s26], [sflag:$0x4], $0x40, s0, s24, $0xb8;
	[tilespmem:$0x1C700] =	vst v63  }
0xc8: {  	_ =	swait.ge [sflag:s28], $0x1F40  }
0xc9: {  	[sflag:s28] =	ssyncset.done $0x0  }
0xca: {  	[sflag:s28] =	ssyncadd.s32 $0xFFFFE0C0  }
0xcb: {  	_ =	swait.ge [sflag:s30], $0x1F40  }
0xcc: {  	[sflag:s30] =	ssyncset.done $0x0  }
0xcd: {  	s19 =	sadd.s32 $0x1, s19;
	[sflag:s30] =	ssyncadd.s32 $0xFFFFE0C0  }
0xce: {  	p0 =	sne.s32 s19, s17;
	[bflag:$0x0] =	sbarrier.arrive $0xFFFF  }
0xcf: {  	[hbm:s16@s23], [sflag:s1] =	dma.strided [spmem:s5@s22], $0x1388, s21, $0x8   }
.Ltmp4:
0xd0: {  	_ =	swait.ge [sflag:s18], $0x1388;
	(pc) =	sbr.rel @p0 .LBB2_1-.Ltmp4, $3  }
0xd1: {  	[sflag:s18] =	ssyncset.done $0x0  }
0xd2: {  	[sflag:s18] =	ssyncadd.s32 $0xFFFFEC78  }
0xd3: {  	[bflag:$0x0] =	sbarrier.arrive $0xFFFF;
	_ =	sdelay $0x1  }
0xd4: {  	_ =	sfence.sel $0x180000  }
0xd5: {  	[bflag:$0x0] =	sbarrier.arrive $0xFFFF  }
0xd6: {  	_ =	strace $0x9000004A  }
0xd7: {  	s0 =	stileid.u32;
	[bflag:$0x2] =	sbarrier.arrive $0xFFFF  }
0xd8: {  	p0 =	sne.s32 s0, $0x0;
	s0 =	rddreg [dreg:$0x4]  }
0xd9: {  	s0 =	sadd.s32 @!p0 $0x100000, s0  }
0xda: {  	[sflag:s0] =	ssyncadd.tile.s32 @!p0 $0x1;
	_ =	shalt  }
.Lfunc_end2:
_tile_overlayer_lowered:
.L_overlay_start_2:
0xdb: {  	(tag) =	ssettag $0x2  }
0xdc: {  	s0 =	rddreg [dreg:$0x0];
	s2 =	stileid.u32  }
0xdd: {  	s1 =	rddreg [dreg:$0x1];
	p0 =	sne.s32 s2, $0x0  }
0xde: {  	s3 =	rddreg [dreg:$0x2];
	[bflag:$0x3] =	sbarrier.arrive $0xFFFF;
	s2 =	simm.s32 @!p0 $0x1C05  }
0xdf: {  	[timem:s3], [sflag:s2] =	dma.local @!p0 [hbm:s0], s1  }
0xe0: {  	s0 =	simm.s32 @!p0 $0x5  }
0xe1: {  	_ =	swait.ge @!p0 [sflag:s0], s1  }
0xe2: {  	s1 =	ssub.s32 @!p0 $0x0, s1;
	[sflag:s0] =	ssyncset.done @!p0 $0x0  }
0xe3: {  	[sflag:s0] =	ssyncadd.s32 @!p0 s1  }
0xe4: {  	[bflag:$0x3] =	sbarrier.arrive $0xFFFF  }
0xe5: {  	_ =	shalt  }

</sc_bundles>
